<compile_context>
chip_gen: v7x
topology: tpu7x:2x2x1
jax: 0.10.2.dev20260603
libtpu: 0.0.44.dev20260713+nightly
codegen_flags: <defaults>
</compile_context>

<pallas_src>
import functools

import jax
import jax.numpy as jnp
from jax import lax
from jax.experimental import pallas as pl
from jax.experimental.pallas import tpu as pltpu
from jax.experimental.pallas import tpu_sc as plsc

_N = 80000
_C = 80
_NG = 64
_K = 6
_LANES = 128
_NSTEP = 25
_CHR = 25
_BLK = _N // _NSTEP
_NSEL = _NG * _K
_NPAD = 512
_GP = 4


def _fused_body(logits_ref, ctr_ref, im_ref, gt_ref, idx_ref, val_ref,
                s_scr, msk_ref):
    i = pl.program_id(0)
    x = logits_ref[...].reshape(_CHR, _LANES, _C)
    m = jnp.max(x, axis=2)
    s_scr[i] = jax.nn.sigmoid(m) * jax.nn.sigmoid(ctr_ref[0])

    @pl.when(i == _NSTEP - 1)
    def _select():
        group = im_ref[...] * 16 + gt_ref[...]
        r0 = lax.broadcasted_iota(jnp.int32, (_CHR, _LANES), 0)
        c0 = lax.broadcasted_iota(jnp.int32, (_CHR, _LANES), 1)
        linc = r0 * _LANES + c0
        cio = lax.broadcasted_iota(jnp.int32, (_NSTEP, _LANES), 0)
        orow = lax.broadcasted_iota(jnp.int32, (_NG, _K), 0)
        ocol = lax.broadcasted_iota(jnp.int32, (_NG, _K), 1)

        def group_body(gp, _):
            for j in range(_GP):
                msk_ref[j] = jnp.where(group == gp * _GP + j,
                                       s_scr[...], -1.0)
            bm0 = tuple(jnp.max(msk_ref[j], axis=1) for j in range(_GP))

            def k_body(k, bms):
                out = []
                for j in range(_GP):
                    bm = bms[j]
                    mx = jnp.max(bm)
                    cstar = jnp.min(
                        jnp.where(bm == mx, cio, jnp.int32(_NSTEP)))
                    ch = msk_ref[j, cstar]
                    il = jnp.min(
                        jnp.where(ch == mx, linc, jnp.int32(_BLK)))
                    idx = cstar * _BLK + il
                    sel = (orow == gp * _GP + j) & (ocol == k)
                    val_ref[...] = jnp.where(sel, mx, val_ref[...])
                    idx_ref[...] = jnp.where(sel, idx, idx_ref[...])
                    ch2 = jnp.where(linc == il, -1.0, ch)
                    msk_ref[j, cstar] = ch2
                    out.append(jnp.where(
                        cio == cstar,
                        jnp.max(ch2, axis=0, keepdims=True), bm))
                return tuple(out)

            lax.fori_loop(0, _K, k_body, bm0)
            return 0

        lax.fori_loop(0, _NG // _GP, group_body, 0)


def _fused_call(logits, ctr3, im3, gt3):
    shp = (_NSTEP, _CHR, _LANES)
    return pl.pallas_call(
        _fused_body,
        grid=(_NSTEP,),
        in_specs=[
            pl.BlockSpec((_BLK, _C), lambda i: (i, 0)),
            pl.BlockSpec((1, _CHR, _LANES), lambda i: (i, 0, 0)),
            pl.BlockSpec(shp, lambda i: (0, 0, 0)),
            pl.BlockSpec(shp, lambda i: (0, 0, 0)),
        ],
        out_specs=[
            pl.BlockSpec((_NG, _K), lambda i: (0, 0)),
            pl.BlockSpec((_NG, _K), lambda i: (0, 0)),
        ],
        out_shape=[
            jax.ShapeDtypeStruct((_NG, _K), jnp.int32),
            jax.ShapeDtypeStruct((_NG, _K), jnp.float32),
        ],
        scratch_shapes=[pltpu.VMEM(shp, jnp.float32),
                        pltpu.VMEM((_GP,) + shp, jnp.float32)],
    )(logits, ctr3, im3, gt3)


def _gather_call(idx_pad, rt, rp, loc, lvl):
    info = plsc.get_sparse_core_info()
    nc, ns = info.num_cores, info.num_subcores
    per_w = _NPAD // (nc * ns)
    mesh = plsc.VectorSubcoreMesh(core_axis_name="c", subcore_axis_name="s")

    @functools.partial(
        pl.kernel,
        mesh=mesh,
        compiler_params=pltpu.CompilerParams(use_tc_tiling_on_sc=False),
        out_type=[
            jax.ShapeDtypeStruct((4, _NPAD), jnp.float32),
            jax.ShapeDtypeStruct((4, _NPAD), jnp.float32),
            jax.ShapeDtypeStruct((2, _NPAD), jnp.float32),
            jax.ShapeDtypeStruct((_NPAD,), jnp.int32),
        ],
        scratch_types=[
            pltpu.VMEM((per_w,), jnp.int32),
            [pltpu.VMEM((per_w,), jnp.float32)] * 10,
            pltpu.VMEM((per_w,), jnp.int32),
            pltpu.SemaphoreType.DMA,
        ],
    )
    def k(idx_hbm, rt_hbm, rp_hbm, loc_hbm, lvl_hbm,
          ort_hbm, orp_hbm, oloc_hbm, olvl_hbm,
          idx_v, bufs, lvl_v, sem):
        wid = lax.axis_index("s") * nc + lax.axis_index("c")
        base = wid * per_w
        pltpu.sync_copy(idx_hbm.at[pl.ds(base, per_w)], idx_v)
        idx = idx_v[...]
        cps = []
        plan = [(rt_hbm, ort_hbm, 4, bufs[0:4]),
                (rp_hbm, orp_hbm, 4, bufs[4:8]),
                (loc_hbm, oloc_hbm, 2, bufs[8:10])]
        for src, _, ncol, tbufs in plan:
            for c in range(ncol):
                cps.append(pltpu.async_copy(
                    src.at[idx * ncol + c], tbufs[c], sem))
        cps.append(pltpu.async_copy(lvl_hbm.at[idx], lvl_v, sem))
        for cp in cps:
            cp.wait()
        for _, dst, ncol, tbufs in plan:
            for c in range(ncol):
                pltpu.sync_copy(tbufs[c], dst.at[c, pl.ds(base, per_w)])
        pltpu.sync_copy(lvl_v, olvl_hbm.at[pl.ds(base, per_w)])

    ort, orp, oloc, olvl = k(idx_pad, rt.reshape(-1), rp.reshape(-1),
                             loc.reshape(-1), lvl)
    return ort.T, orp.T, oloc.T, olvl


def _decode_body(rt_ref, rp_ref, loc_ref, lvl_ref, val_ref,
                 pb_ref, gb_ref, ob_ref):
    stride = (jnp.int32(8) << lvl_ref[...]).astype(jnp.float32)
    vals = val_ref[...]
    valid = (vals >= 0.0).astype(jnp.float32)
    c = lax.broadcasted_iota(jnp.int32, (_NSEL, 4), 1)
    sign = jnp.where(c < 2, -1.0, 1.0)
    loc2 = jnp.concatenate([loc_ref[...], loc_ref[...]], axis=1)
    gb_ref[...] = (loc2 + sign * rt_ref[...] * stride) * valid
    pb_ref[...] = (loc2 + sign * rp_ref[...] * stride) * valid
    ob_ref[...] = vals * valid


def _decode_call(rt, rp, loc, lvl, vals):
    return pl.pallas_call(
        _decode_body,
        out_shape=[
            jax.ShapeDtypeStruct((_NSEL, 4), jnp.float32),
            jax.ShapeDtypeStruct((_NSEL, 4), jnp.float32),
            jax.ShapeDtypeStruct((_NSEL, 1), jnp.float32),
        ],
    )(rt, rp, loc, lvl, vals)


def kernel(logits_pred, ctrness_pred, reg_targets, reg_pred, locations,
           fpn_levels, im_inds, gt_inds):
    shp = (_NSTEP, _CHR, _LANES)
    ctr3 = ctrness_pred.reshape(shp)
    im3 = im_inds.astype(jnp.int32).reshape(shp)
    gt3 = gt_inds.astype(jnp.int32).reshape(shp)
    idxs, vals = _fused_call(logits_pred, ctr3, im3, gt3)

    idx_flat = idxs.reshape(_NSEL)
    idx_pad = jnp.concatenate(
        [idx_flat, jnp.zeros((_NPAD - _NSEL,), jnp.int32)])
    rt_g, rp_g, loc_g, lvl_g = _gather_call(
        idx_pad, reg_targets, reg_pred, locations,
        fpn_levels.astype(jnp.int32))

    pb, gb, ob = _decode_call(
        rt_g[:_NSEL], rp_g[:_NSEL], loc_g[:_NSEL],
        lvl_g[:_NSEL].reshape(_NSEL, 1), vals.reshape(_NSEL, 1))
    return (pb.reshape(_NG, _K, 4), gb.reshape(_NG, _K, 4),
            ob.reshape(_NG, _K))

# --- scband reference (transcript-rebuilt; emitter-appended) ---
"""Pipeline reference for scband-pseudo-ro-ihead-4595615007276 (READ-ONLY COPY).

The authoritative reference and input builder live on the scoring server;
editing this copy changes nothing except your own understanding.
"""

import jax, jax.numpy as jnp
import numpy as np

N = 80000
C = 80
B = 4
G = 16
TOPK_PER_IM = 100
K_PER_GT = max(TOPK_PER_IM // G, 1)


def setup_inputs(seed: int = 0) -> dict:
    key = jax.random.key(seed)
    ks = jax.random.split(key, 8)
    logits_pred = jax.random.normal(ks[0], (N, C), dtype=jnp.float32)
    ctrness_pred = jax.random.normal(ks[1], (N,), dtype=jnp.float32)
    reg_targets = jax.random.uniform(ks[2], (N, 4), dtype=jnp.float32)
    reg_pred = jax.random.uniform(ks[3], (N, 4), dtype=jnp.float32)
    locations = jax.random.uniform(ks[4], (N, 2), dtype=jnp.float32)
    fpn_levels = jax.random.randint(ks[5], (N,), 0, 5)
    im_inds = jnp.sort(jax.random.randint(ks[6], (N,), 0, B))
    gt_inds = jax.random.randint(ks[7], (N,), 0, G)
    return {
        'logits_pred': logits_pred,
        'ctrness_pred': ctrness_pred,
        'reg_targets': reg_targets,
        'reg_pred': reg_pred,
        'locations': locations,
        'fpn_levels': fpn_levels,
        'im_inds': im_inds,
        'gt_inds': gt_inds,
    }


def reference(logits_pred, ctrness_pred, reg_targets, reg_pred, locations, fpn_levels, im_inds, gt_inds):
    # objectness score used for top-k selection: sigmoid(logits).max(1) * sigmoid(ctrness)
    scores = jnp.max(jax.nn.sigmoid(logits_pred), axis=1) * jax.nn.sigmoid(ctrness_pred)

    # per-(image, gt) group id
    group = im_inds.astype(jnp.int32) * G + gt_inds.astype(jnp.int32)
    neg = jnp.finfo(scores.dtype).min

    def per_group(g):
        masked = jnp.where(group == g, scores, neg)
        vals, idx = jax.lax.top_k(masked, K_PER_GT)
        return idx, vals > neg

    idxs, valid = jax.vmap(per_group)(jnp.arange(B * G))  # [B*G, k]

    # decode boxes (FCOS ltrb -> xyxy), scaled by FPN stride 8 * 2**level
    stride = 8.0 * (2.0 ** fpn_levels.astype(jnp.float32))
    rt = reg_targets * stride[:, None]
    rp = reg_pred * stride[:, None]
    gt_boxes = jnp.concatenate([locations - rt[:, :2], locations + rt[:, 2:]], axis=-1)
    pred_boxes = jnp.concatenate([locations - rp[:, :2], locations + rp[:, 2:]], axis=-1)

    m = valid.astype(jnp.float32)
    pb = pred_boxes[idxs] * m[..., None]
    gb = gt_boxes[idxs] * m[..., None]
    ob = scores[idxs] * m
    return pb, gb, ob

if __name__ == "__main__":
    import jax
    _d = setup_inputs()
    print(jax.jit(kernel)(*tuple(_d.values())))

</pallas_src>

<mosaic_0001>
#map = affine_map<(d0, d1) -> (0)>
#map1 = affine_map<(d0, d1) -> (0, 0)>
module attributes {stable_mosaic.version = 14 : i64} {
  func.func @k(%arg0: i32, %arg1: i32, %arg2: memref<512xi32, #tpu.memory_space<hbm>>, %arg3: memref<320000xf32, #tpu.memory_space<hbm>>, %arg4: memref<320000xf32, #tpu.memory_space<hbm>>, %arg5: memref<160000xf32, #tpu.memory_space<hbm>>, %arg6: memref<80000xi32, #tpu.memory_space<hbm>>, %arg7: memref<4x512xf32, #tpu.memory_space<hbm>>, %arg8: memref<4x512xf32, #tpu.memory_space<hbm>>, %arg9: memref<2x512xf32, #tpu.memory_space<hbm>>, %arg10: memref<512xi32, #tpu.memory_space<hbm>>, %arg11: memref<16xi32, #tpu.memory_space<vmem>>, %arg12: memref<16xf32, #tpu.memory_space<vmem>>, %arg13: memref<16xf32, #tpu.memory_space<vmem>>, %arg14: memref<16xf32, #tpu.memory_space<vmem>>, %arg15: memref<16xf32, #tpu.memory_space<vmem>>, %arg16: memref<16xf32, #tpu.memory_space<vmem>>, %arg17: memref<16xf32, #tpu.memory_space<vmem>>, %arg18: memref<16xf32, #tpu.memory_space<vmem>>, %arg19: memref<16xf32, #tpu.memory_space<vmem>>, %arg20: memref<16xf32, #tpu.memory_space<vmem>>, %arg21: memref<16xf32, #tpu.memory_space<vmem>>, %arg22: memref<16xi32, #tpu.memory_space<vmem>>, %arg23: memref<!tpu.dma_semaphore, #tpu.memory_space<semaphore_mem>>) attributes {dimension_semantics = [#tpu.dimension_semantics<core_parallel>, #tpu.dimension_semantics<subcore_parallel>], iteration_bounds = array<i64: 2, 16>, scalar_prefetch = 0 : i64, scratch_operands = 13 : i64, tpu.core_type = #tpu.core_type<sc_vector_subcore>, window_params = [{transform_indices = #map}, {transform_indices = #map}, {transform_indices = #map}, {transform_indices = #map}, {transform_indices = #map}, {transform_indices = #map1}, {transform_indices = #map1}, {transform_indices = #map1}, {transform_indices = #map}]} {
    %mul3A = arith.constant 2 : i32
    %mul3A_0 = arith.muli %arg1, %mul3A : i32
    %add3A = arith.addi %mul3A_0, %arg0 : i32
    %mul3A_1 = arith.constant 16 : i32
    %mul3A_2 = arith.muli %add3A, %mul3A_1 : i32
    "tpu.region"() ({
      %run_scoped3A_116 = tpu.sem_alloc : memref<!tpu.dma_semaphore, #tpu.memory_space<semaphore_mem>>
      %dma_start3A_117 = tpu.memref_slice %arg2[%mul3A_2] : memref<512xi32, #tpu.memory_space<hbm>> -> memref<16xi32, #tpu.memory_space<hbm>>
      %dma_start3A_118 = tpu.memref_slice %arg2[%mul3A_2] : memref<512xi32, #tpu.memory_space<hbm>> -> memref<16xi32, #tpu.memory_space<hbm>>
      tpu.enqueue_dma source(%dma_start3A_118 : memref<16xi32, #tpu.memory_space<hbm>>) target(%arg11 : memref<16xi32, #tpu.memory_space<vmem>>) target_semaphore(%run_scoped3A_116 : memref<!tpu.dma_semaphore, #tpu.memory_space<semaphore_mem>>)
      %dma_wait3A_119 = tpu.memref_slice %arg2[%mul3A_2] : memref<512xi32, #tpu.memory_space<hbm>> -> memref<16xi32, #tpu.memory_space<hbm>>
      %dma_wait3A_120 = tpu.memref_slice %arg2[%mul3A_2] : memref<512xi32, #tpu.memory_space<hbm>> -> memref<16xi32, #tpu.memory_space<hbm>>
      tpu.wait_dma2 semaphore(%run_scoped3A_116 : memref<!tpu.dma_semaphore, #tpu.memory_space<semaphore_mem>>) src(%dma_wait3A_120 : memref<16xi32, #tpu.memory_space<hbm>>) dst(%arg11 : memref<16xi32, #tpu.memory_space<vmem>>)
      tpu.yield
    }) : () -> ()
    %get3A = arith.constant 0 : index
    %get3A_3 = tpu.vector_load %arg11[%get3A] {strides = array<i32>} : memref<16xi32, #tpu.memory_space<vmem>>, vector<16xi32>,
    %get3A_4 = vector.shape_cast %get3A_3 : vector<16xi32> to vector<16xi32>
    %mul3A_5 = arith.constant 4 : i32
    %mul3A_6 = vector.broadcast %mul3A_5 : i32 to vector<16xi32>
    %mul3A_7 = arith.muli %get3A_4, %mul3A_6 : vector<16xi32>
    %add3A_8 = arith.constant 0 : i32
    %add3A_9 = vector.broadcast %add3A_8 : i32 to vector<16xi32>
    %add3A_10 = arith.addi %mul3A_7, %add3A_9 : vector<16xi32>
    %dma_start3A = arith.constant 0 : i32
    %dma_start3A_11 = tpu.memref_slice %arg3[%dma_start3A] : memref<320000xf32, #tpu.memory_space<hbm>> -> memref<320000xf32, #tpu.memory_space<hbm>>
    tpu.enqueue_indirect_dma source(%dma_start3A_11 : memref<320000xf32, #tpu.memory_space<hbm>>) target(%arg12 : memref<16xf32, #tpu.memory_space<vmem>>) offsets(%add3A_10 : vector<16xi32>) semaphore(%arg23 : memref<!tpu.dma_semaphore, #tpu.memory_space<semaphore_mem>>)
    %mul3A_12 = arith.constant 4 : i32
    %mul3A_13 = vector.broadcast %mul3A_12 : i32 to vector<16xi32>
    %mul3A_14 = arith.muli %get3A_4, %mul3A_13 : vector<16xi32>
    %add3A_15 = arith.constant 1 : i32
    %add3A_16 = vector.broadcast %add3A_15 : i32 to vector<16xi32>
    %add3A_17 = arith.addi %mul3A_14, %add3A_16 : vector<16xi32>
    %dma_start3A_18 = arith.constant 0 : i32
    %dma_start3A_19 = tpu.memref_slice %arg3[%dma_start3A_18] : memref<320000xf32, #tpu.memory_space<hbm>> -> memref<320000xf32, #tpu.memory_space<hbm>>
    tpu.enqueue_indirect_dma source(%dma_start3A_19 : memref<320000xf32, #tpu.memory_space<hbm>>) target(%arg13 : memref<16xf32, #tpu.memory_space<vmem>>) offsets(%add3A_17 : vector<16xi32>) semaphore(%arg23 : memref<!tpu.dma_semaphore, #tpu.memory_space<semaphore_mem>>)
    %mul3A_20 = arith.constant 4 : i32
    %mul3A_21 = vector.broadcast %mul3A_20 : i32 to vector<16xi32>
    %mul3A_22 = arith.muli %get3A_4, %mul3A_21 : vector<16xi32>
    %add3A_23 = arith.constant 2 : i32
    %add3A_24 = vector.broadcast %add3A_23 : i32 to vector<16xi32>
    %add3A_25 = arith.addi %mul3A_22, %add3A_24 : vector<16xi32>
    %dma_start3A_26 = arith.constant 0 : i32
    %dma_start3A_27 = tpu.memref_slice %arg3[%dma_start3A_26] : memref<320000xf32, #tpu.memory_space<hbm>> -> memref<320000xf32, #tpu.memory_space<hbm>>
    tpu.enqueue_indirect_dma source(%dma_start3A_27 : memref<320000xf32, #tpu.memory_space<hbm>>) target(%arg14 : memref<16xf32, #tpu.memory_space<vmem>>) offsets(%add3A_25 : vector<16xi32>) semaphore(%arg23 : memref<!tpu.dma_semaphore, #tpu.memory_space<semaphore_mem>>)
    %mul3A_28 = arith.constant 4 : i32
    %mul3A_29 = vector.broadcast %mul3A_28 : i32 to vector<16xi32>
    %mul3A_30 = arith.muli %get3A_4, %mul3A_29 : vector<16xi32>
    %add3A_31 = arith.constant 3 : i32
    %add3A_32 = vector.broadcast %add3A_31 : i32 to vector<16xi32>
    %add3A_33 = arith.addi %mul3A_30, %add3A_32 : vector<16xi32>
    %dma_start3A_34 = arith.constant 0 : i32
    %dma_start3A_35 = tpu.memref_slice %arg3[%dma_start3A_34] : memref<320000xf32, #tpu.memory_space<hbm>> -> memref<320000xf32, #tpu.memory_space<hbm>>
    tpu.enqueue_indirect_dma source(%dma_start3A_35 : memref<320000xf32, #tpu.memory_space<hbm>>) target(%arg15 : memref<16xf32, #tpu.memory_space<vmem>>) offsets(%add3A_33 : vector<16xi32>) semaphore(%arg23 : memref<!tpu.dma_semaphore, #tpu.memory_space<semaphore_mem>>)
    %mul3A_36 = arith.constant 4 : i32
    %mul3A_37 = vector.broadcast %mul3A_36 : i32 to vector<16xi32>
    %mul3A_38 = arith.muli %get3A_4, %mul3A_37 : vector<16xi32>
    %add3A_39 = arith.constant 0 : i32
    %add3A_40 = vector.broadcast %add3A_39 : i32 to vector<16xi32>
    %add3A_41 = arith.addi %mul3A_38, %add3A_40 : vector<16xi32>
    %dma_start3A_42 = arith.constant 0 : i32
    %dma_start3A_43 = tpu.memref_slice %arg4[%dma_start3A_42] : memref<320000xf32, #tpu.memory_space<hbm>> -> memref<320000xf32, #tpu.memory_space<hbm>>
    tpu.enqueue_indirect_dma source(%dma_start3A_43 : memref<320000xf32, #tpu.memory_space<hbm>>) target(%arg16 : memref<16xf32, #tpu.memory_space<vmem>>) offsets(%add3A_41 : vector<16xi32>) semaphore(%arg23 : memref<!tpu.dma_semaphore, #tpu.memory_space<semaphore_mem>>)
    %mul3A_44 = arith.constant 4 : i32
    %mul3A_45 = vector.broadcast %mul3A_44 : i32 to vector<16xi32>
    %mul3A_46 = arith.muli %get3A_4, %mul3A_45 : vector<16xi32>
    %add3A_47 = arith.constant 1 : i32
    %add3A_48 = vector.broadcast %add3A_47 : i32 to vector<16xi32>
    %add3A_49 = arith.addi %mul3A_46, %add3A_48 : vector<16xi32>
    %dma_start3A_50 = arith.constant 0 : i32
    %dma_start3A_51 = tpu.memref_slice %arg4[%dma_start3A_50] : memref<320000xf32, #tpu.memory_space<hbm>> -> memref<320000xf32, #tpu.memory_space<hbm>>
    tpu.enqueue_indirect_dma source(%dma_start3A_51 : memref<320000xf32, #tpu.memory_space<hbm>>) target(%arg17 : memref<16xf32, #tpu.memory_space<vmem>>) offsets(%add3A_49 : vector<16xi32>) semaphore(%arg23 : memref<!tpu.dma_semaphore, #tpu.memory_space<semaphore_mem>>)
    %mul3A_52 = arith.constant 4 : i32
    %mul3A_53 = vector.broadcast %mul3A_52 : i32 to vector<16xi32>
    %mul3A_54 = arith.muli %get3A_4, %mul3A_53 : vector<16xi32>
    %add3A_55 = arith.constant 2 : i32
    %add3A_56 = vector.broadcast %add3A_55 : i32 to vector<16xi32>
    %add3A_57 = arith.addi %mul3A_54, %add3A_56 : vector<16xi32>
    %dma_start3A_58 = arith.constant 0 : i32
    %dma_start3A_59 = tpu.memref_slice %arg4[%dma_start3A_58] : memref<320000xf32, #tpu.memory_space<hbm>> -> memref<320000xf32, #tpu.memory_space<hbm>>
    tpu.enqueue_indirect_dma source(%dma_start3A_59 : memref<320000xf32, #tpu.memory_space<hbm>>) target(%arg18 : memref<16xf32, #tpu.memory_space<vmem>>) offsets(%add3A_57 : vector<16xi32>) semaphore(%arg23 : memref<!tpu.dma_semaphore, #tpu.memory_space<semaphore_mem>>)
    %mul3A_60 = arith.constant 4 : i32
    %mul3A_61 = vector.broadcast %mul3A_60 : i32 to vector<16xi32>
    %mul3A_62 = arith.muli %get3A_4, %mul3A_61 : vector<16xi32>
    %add3A_63 = arith.constant 3 : i32
    %add3A_64 = vector.broadcast %add3A_63 : i32 to vector<16xi32>
    %add3A_65 = arith.addi %mul3A_62, %add3A_64 : vector<16xi32>
    %dma_start3A_66 = arith.constant 0 : i32
    %dma_start3A_67 = tpu.memref_slice %arg4[%dma_start3A_66] : memref<320000xf32, #tpu.memory_space<hbm>> -> memref<320000xf32, #tpu.memory_space<hbm>>
    tpu.enqueue_indirect_dma source(%dma_start3A_67 : memref<320000xf32, #tpu.memory_space<hbm>>) target(%arg19 : memref<16xf32, #tpu.memory_space<vmem>>) offsets(%add3A_65 : vector<16xi32>) semaphore(%arg23 : memref<!tpu.dma_semaphore, #tpu.memory_space<semaphore_mem>>)
    %mul3A_68 = arith.constant 2 : i32
    %mul3A_69 = vector.broadcast %mul3A_68 : i32 to vector<16xi32>
    %mul3A_70 = arith.muli %get3A_4, %mul3A_69 : vector<16xi32>
    %add3A_71 = arith.constant 0 : i32
    %add3A_72 = vector.broadcast %add3A_71 : i32 to vector<16xi32>
    %add3A_73 = arith.addi %mul3A_70, %add3A_72 : vector<16xi32>
    %dma_start3A_74 = arith.constant 0 : i32
    %dma_start3A_75 = tpu.memref_slice %arg5[%dma_start3A_74] : memref<160000xf32, #tpu.memory_space<hbm>> -> memref<160000xf32, #tpu.memory_space<hbm>>
    tpu.enqueue_indirect_dma source(%dma_start3A_75 : memref<160000xf32, #tpu.memory_space<hbm>>) target(%arg20 : memref<16xf32, #tpu.memory_space<vmem>>) offsets(%add3A_73 : vector<16xi32>) semaphore(%arg23 : memref<!tpu.dma_semaphore, #tpu.memory_space<semaphore_mem>>)
    %mul3A_76 = arith.constant 2 : i32
    %mul3A_77 = vector.broadcast %mul3A_76 : i32 to vector<16xi32>
    %mul3A_78 = arith.muli %get3A_4, %mul3A_77 : vector<16xi32>
    %add3A_79 = arith.constant 1 : i32
    %add3A_80 = vector.broadcast %add3A_79 : i32 to vector<16xi32>
    %add3A_81 = arith.addi %mul3A_78, %add3A_80 : vector<16xi32>
    %dma_start3A_82 = arith.constant 0 : i32
    %dma_start3A_83 = tpu.memref_slice %arg5[%dma_start3A_82] : memref<160000xf32, #tpu.memory_space<hbm>> -> memref<160000xf32, #tpu.memory_space<hbm>>
    tpu.enqueue_indirect_dma source(%dma_start3A_83 : memref<160000xf32, #tpu.memory_space<hbm>>) target(%arg21 : memref<16xf32, #tpu.memory_space<vmem>>) offsets(%add3A_81 : vector<16xi32>) semaphore(%arg23 : memref<!tpu.dma_semaphore, #tpu.memory_space<semaphore_mem>>)
    %dma_start3A_84 = arith.constant 0 : i32
    %dma_start3A_85 = tpu.memref_slice %arg6[%dma_start3A_84] : memref<80000xi32, #tpu.memory_space<hbm>> -> memref<80000xi32, #tpu.memory_space<hbm>>
    tpu.enqueue_indirect_dma source(%dma_start3A_85 : memref<80000xi32, #tpu.memory_space<hbm>>) target(%arg22 : memref<16xi32, #tpu.memory_space<vmem>>) offsets(%get3A_4 : vector<16xi32>) semaphore(%arg23 : memref<!tpu.dma_semaphore, #tpu.memory_space<semaphore_mem>>)
    %dma_wait3A = arith.constant 0 : i32
    %dma_wait3A_86 = tpu.memref_slice %arg3[%dma_wait3A] : memref<320000xf32, #tpu.memory_space<hbm>> -> memref<320000xf32, #tpu.memory_space<hbm>>
    tpu.wait_indirect_dma semaphore(%arg23 : memref<!tpu.dma_semaphore, #tpu.memory_space<semaphore_mem>>) src(%dma_wait3A_86 : memref<320000xf32, #tpu.memory_space<hbm>>) dst(%arg12 : memref<16xf32, #tpu.memory_space<vmem>>)
    %dma_wait3A_87 = arith.constant 0 : i32
    %dma_wait3A_88 = tpu.memref_slice %arg3[%dma_wait3A_87] : memref<320000xf32, #tpu.memory_space<hbm>> -> memref<320000xf32, #tpu.memory_space<hbm>>
    tpu.wait_indirect_dma semaphore(%arg23 : memref<!tpu.dma_semaphore, #tpu.memory_space<semaphore_mem>>) src(%dma_wait3A_88 : memref<320000xf32, #tpu.memory_space<hbm>>) dst(%arg13 : memref<16xf32, #tpu.memory_space<vmem>>)
    %dma_wait3A_89 = arith.constant 0 : i32
    %dma_wait3A_90 = tpu.memref_slice %arg3[%dma_wait3A_89] : memref<320000xf32, #tpu.memory_space<hbm>> -> memref<320000xf32, #tpu.memory_space<hbm>>
    tpu.wait_indirect_dma semaphore(%arg23 : memref<!tpu.dma_semaphore, #tpu.memory_space<semaphore_mem>>) src(%dma_wait3A_90 : memref<320000xf32, #tpu.memory_space<hbm>>) dst(%arg14 : memref<16xf32, #tpu.memory_space<vmem>>)
    %dma_wait3A_91 = arith.constant 0 : i32
    %dma_wait3A_92 = tpu.memref_slice %arg3[%dma_wait3A_91] : memref<320000xf32, #tpu.memory_space<hbm>> -> memref<320000xf32, #tpu.memory_space<hbm>>
    tpu.wait_indirect_dma semaphore(%arg23 : memref<!tpu.dma_semaphore, #tpu.memory_space<semaphore_mem>>) src(%dma_wait3A_92 : memref<320000xf32, #tpu.memory_space<hbm>>) dst(%arg15 : memref<16xf32, #tpu.memory_space<vmem>>)
    %dma_wait3A_93 = arith.constant 0 : i32
    %dma_wait3A_94 = tpu.memref_slice %arg4[%dma_wait3A_93] : memref<320000xf32, #tpu.memory_space<hbm>> -> memref<320000xf32, #tpu.memory_space<hbm>>
    tpu.wait_indirect_dma semaphore(%arg23 : memref<!tpu.dma_semaphore, #tpu.memory_space<semaphore_mem>>) src(%dma_wait3A_94 : memref<320000xf32, #tpu.memory_space<hbm>>) dst(%arg16 : memref<16xf32, #tpu.memory_space<vmem>>)
    %dma_wait3A_95 = arith.constant 0 : i32
    %dma_wait3A_96 = tpu.memref_slice %arg4[%dma_wait3A_95] : memref<320000xf32, #tpu.memory_space<hbm>> -> memref<320000xf32, #tpu.memory_space<hbm>>
    tpu.wait_indirect_dma semaphore(%arg23 : memref<!tpu.dma_semaphore, #tpu.memory_space<semaphore_mem>>) src(%dma_wait3A_96 : memref<320000xf32, #tpu.memory_space<hbm>>) dst(%arg17 : memref<16xf32, #tpu.memory_space<vmem>>)
    %dma_wait3A_97 = arith.constant 0 : i32
    %dma_wait3A_98 = tpu.memref_slice %arg4[%dma_wait3A_97] : memref<320000xf32, #tpu.memory_space<hbm>> -> memref<320000xf32, #tpu.memory_space<hbm>>
    tpu.wait_indirect_dma semaphore(%arg23 : memref<!tpu.dma_semaphore, #tpu.memory_space<semaphore_mem>>) src(%dma_wait3A_98 : memref<320000xf32, #tpu.memory_space<hbm>>) dst(%arg18 : memref<16xf32, #tpu.memory_space<vmem>>)
    %dma_wait3A_99 = arith.constant 0 : i32
    %dma_wait3A_100 = tpu.memref_slice %arg4[%dma_wait3A_99] : memref<320000xf32, #tpu.memory_space<hbm>> -> memref<320000xf32, #tpu.memory_space<hbm>>
    tpu.wait_indirect_dma semaphore(%arg23 : memref<!tpu.dma_semaphore, #tpu.memory_space<semaphore_mem>>) src(%dma_wait3A_100 : memref<320000xf32, #tpu.memory_space<hbm>>) dst(%arg19 : memref<16xf32, #tpu.memory_space<vmem>>)
    %dma_wait3A_101 = arith.constant 0 : i32
    %dma_wait3A_102 = tpu.memref_slice %arg5[%dma_wait3A_101] : memref<160000xf32, #tpu.memory_space<hbm>> -> memref<160000xf32, #tpu.memory_space<hbm>>
    tpu.wait_indirect_dma semaphore(%arg23 : memref<!tpu.dma_semaphore, #tpu.memory_space<semaphore_mem>>) src(%dma_wait3A_102 : memref<160000xf32, #tpu.memory_space<hbm>>) dst(%arg20 : memref<16xf32, #tpu.memory_space<vmem>>)
    %dma_wait3A_103 = arith.constant 0 : i32
    %dma_wait3A_104 = tpu.memref_slice %arg5[%dma_wait3A_103] : memref<160000xf32, #tpu.memory_space<hbm>> -> memref<160000xf32, #tpu.memory_space<hbm>>
    tpu.wait_indirect_dma semaphore(%arg23 : memref<!tpu.dma_semaphore, #tpu.memory_space<semaphore_mem>>) src(%dma_wait3A_104 : memref<160000xf32, #tpu.memory_space<hbm>>) dst(%arg21 : memref<16xf32, #tpu.memory_space<vmem>>)
    %dma_wait3A_105 = arith.constant 0 : i32
    %dma_wait3A_106 = tpu.memref_slice %arg6[%dma_wait3A_105] : memref<80000xi32, #tpu.memory_space<hbm>> -> memref<80000xi32, #tpu.memory_space<hbm>>
    tpu.wait_indirect_dma semaphore(%arg23 : memref<!tpu.dma_semaphore, #tpu.memory_space<semaphore_mem>>) src(%dma_wait3A_106 : memref<80000xi32, #tpu.memory_space<hbm>>) dst(%arg22 : memref<16xi32, #tpu.memory_space<vmem>>)
    %run_scoped3A = arith.constant 0 : i32
    "tpu.region"() ({
      %run_scoped3A_116 = tpu.sem_alloc : memref<!tpu.dma_semaphore, #tpu.memory_space<semaphore_mem>>
      %dma_start3A_117 = tpu.memref_slice %arg7[%run_scoped3A, %mul3A_2] : memref<4x512xf32, #tpu.memory_space<hbm>> -> memref<1x16xf32, #tpu.memory_space<hbm>>
      %dma_start3A_118 = tpu.memref_squeeze %dma_start3A_117 : memref<1x16xf32, #tpu.memory_space<hbm>> -> memref<16xf32, #tpu.memory_space<hbm>>
      %dma_start3A_119 = tpu.memref_slice %arg7[%run_scoped3A, %mul3A_2] : memref<4x512xf32, #tpu.memory_space<hbm>> -> memref<1x16xf32, #tpu.memory_space<hbm>>
      %dma_start3A_120 = tpu.memref_squeeze %dma_start3A_119 : memref<1x16xf32, #tpu.memory_space<hbm>> -> memref<16xf32, #tpu.memory_space<hbm>>
      tpu.enqueue_dma source(%arg12 : memref<16xf32, #tpu.memory_space<vmem>>) target(%dma_start3A_120 : memref<16xf32, #tpu.memory_space<hbm>>) target_semaphore(%run_scoped3A_116 : memref<!tpu.dma_semaphore, #tpu.memory_space<semaphore_mem>>)
      %dma_wait3A_121 = tpu.memref_slice %arg7[%run_scoped3A, %mul3A_2] : memref<4x512xf32, #tpu.memory_space<hbm>> -> memref<1x16xf32, #tpu.memory_space<hbm>>
      %dma_wait3A_122 = tpu.memref_squeeze %dma_wait3A_121 : memref<1x16xf32, #tpu.memory_space<hbm>> -> memref<16xf32, #tpu.memory_space<hbm>>
      %dma_wait3A_123 = tpu.memref_slice %arg7[%run_scoped3A, %mul3A_2] : memref<4x512xf32, #tpu.memory_space<hbm>> -> memref<1x16xf32, #tpu.memory_space<hbm>>
      %dma_wait3A_124 = tpu.memref_squeeze %dma_wait3A_123 : memref<1x16xf32, #tpu.memory_space<hbm>> -> memref<16xf32, #tpu.memory_space<hbm>>
      tpu.wait_dma2 semaphore(%run_scoped3A_116 : memref<!tpu.dma_semaphore, #tpu.memory_space<semaphore_mem>>) src(%arg12 : memref<16xf32, #tpu.memory_space<vmem>>) dst(%dma_wait3A_124 : memref<16xf32, #tpu.memory_space<hbm>>)
      tpu.yield
    }) : () -> ()
    %run_scoped3A_107 = arith.constant 1 : i32
    "tpu.region"() ({
      %run_scoped3A_116 = tpu.sem_alloc : memref<!tpu.dma_semaphore, #tpu.memory_space<semaphore_mem>>
      %dma_start3A_117 = tpu.memref_slice %arg7[%run_scoped3A_107, %mul3A_2] : memref<4x512xf32, #tpu.memory_space<hbm>> -> memref<1x16xf32, #tpu.memory_space<hbm>>
      %dma_start3A_118 = tpu.memref_squeeze %dma_start3A_117 : memref<1x16xf32, #tpu.memory_space<hbm>> -> memref<16xf32, #tpu.memory_space<hbm>>
      %dma_start3A_119 = tpu.memref_slice %arg7[%run_scoped3A_107, %mul3A_2] : memref<4x512xf32, #tpu.memory_space<hbm>> -> memref<1x16xf32, #tpu.memory_space<hbm>>
      %dma_start3A_120 = tpu.memref_squeeze %dma_start3A_119 : memref<1x16xf32, #tpu.memory_space<hbm>> -> memref<16xf32, #tpu.memory_space<hbm>>
      tpu.enqueue_dma source(%arg13 : memref<16xf32, #tpu.memory_space<vmem>>) target(%dma_start3A_120 : memref<16xf32, #tpu.memory_space<hbm>>) target_semaphore(%run_scoped3A_116 : memref<!tpu.dma_semaphore, #tpu.memory_space<semaphore_mem>>)
      %dma_wait3A_121 = tpu.memref_slice %arg7[%run_scoped3A_107, %mul3A_2] : memref<4x512xf32, #tpu.memory_space<hbm>> -> memref<1x16xf32, #tpu.memory_space<hbm>>
      %dma_wait3A_122 = tpu.memref_squeeze %dma_wait3A_121 : memref<1x16xf32, #tpu.memory_space<hbm>> -> memref<16xf32, #tpu.memory_space<hbm>>
      %dma_wait3A_123 = tpu.memref_slice %arg7[%run_scoped3A_107, %mul3A_2] : memref<4x512xf32, #tpu.memory_space<hbm>> -> memref<1x16xf32, #tpu.memory_space<hbm>>
      %dma_wait3A_124 = tpu.memref_squeeze %dma_wait3A_123 : memref<1x16xf32, #tpu.memory_space<hbm>> -> memref<16xf32, #tpu.memory_space<hbm>>
      tpu.wait_dma2 semaphore(%run_scoped3A_116 : memref<!tpu.dma_semaphore, #tpu.memory_space<semaphore_mem>>) src(%arg13 : memref<16xf32, #tpu.memory_space<vmem>>) dst(%dma_wait3A_124 : memref<16xf32, #tpu.memory_space<hbm>>)
      tpu.yield
    }) : () -> ()
    %run_scoped3A_108 = arith.constant 2 : i32
    "tpu.region"() ({
      %run_scoped3A_116 = tpu.sem_alloc : memref<!tpu.dma_semaphore, #tpu.memory_space<semaphore_mem>>
      %dma_start3A_117 = tpu.memref_slice %arg7[%run_scoped3A_108, %mul3A_2] : memref<4x512xf32, #tpu.memory_space<hbm>> -> memref<1x16xf32, #tpu.memory_space<hbm>>
      %dma_start3A_118 = tpu.memref_squeeze %dma_start3A_117 : memref<1x16xf32, #tpu.memory_space<hbm>> -> memref<16xf32, #tpu.memory_space<hbm>>
      %dma_start3A_119 = tpu.memref_slice %arg7[%run_scoped3A_108, %mul3A_2] : memref<4x512xf32, #tpu.memory_space<hbm>> -> memref<1x16xf32, #tpu.memory_space<hbm>>
      %dma_start3A_120 = tpu.memref_squeeze %dma_start3A_119 : memref<1x16xf32, #tpu.memory_space<hbm>> -> memref<16xf32, #tpu.memory_space<hbm>>
      tpu.enqueue_dma source(%arg14 : memref<16xf32, #tpu.memory_space<vmem>>) target(%dma_start3A_120 : memref<16xf32, #tpu.memory_space<hbm>>) target_semaphore(%run_scoped3A_116 : memref<!tpu.dma_semaphore, #tpu.memory_space<semaphore_mem>>)
      %dma_wait3A_121 = tpu.memref_slice %arg7[%run_scoped3A_108, %mul3A_2] : memref<4x512xf32, #tpu.memory_space<hbm>> -> memref<1x16xf32, #tpu.memory_space<hbm>>
      %dma_wait3A_122 = tpu.memref_squeeze %dma_wait3A_121 : memref<1x16xf32, #tpu.memory_space<hbm>> -> memref<16xf32, #tpu.memory_space<hbm>>
      %dma_wait3A_123 = tpu.memref_slice %arg7[%run_scoped3A_108, %mul3A_2] : memref<4x512xf32, #tpu.memory_space<hbm>> -> memref<1x16xf32, #tpu.memory_space<hbm>>
      %dma_wait3A_124 = tpu.memref_squeeze %dma_wait3A_123 : memref<1x16xf32, #tpu.memory_space<hbm>> -> memref<16xf32, #tpu.memory_space<hbm>>
      tpu.wait_dma2 semaphore(%run_scoped3A_116 : memref<!tpu.dma_semaphore, #tpu.memory_space<semaphore_mem>>) src(%arg14 : memref<16xf32, #tpu.memory_space<vmem>>) dst(%dma_wait3A_124 : memref<16xf32, #tpu.memory_space<hbm>>)
      tpu.yield
    }) : () -> ()
    %run_scoped3A_109 = arith.constant 3 : i32
    "tpu.region"() ({
      %run_scoped3A_116 = tpu.sem_alloc : memref<!tpu.dma_semaphore, #tpu.memory_space<semaphore_mem>>
      %dma_start3A_117 = tpu.memref_slice %arg7[%run_scoped3A_109, %mul3A_2] : memref<4x512xf32, #tpu.memory_space<hbm>> -> memref<1x16xf32, #tpu.memory_space<hbm>>
      %dma_start3A_118 = tpu.memref_squeeze %dma_start3A_117 : memref<1x16xf32, #tpu.memory_space<hbm>> -> memref<16xf32, #tpu.memory_space<hbm>>
      %dma_start3A_119 = tpu.memref_slice %arg7[%run_scoped3A_109, %mul3A_2] : memref<4x512xf32, #tpu.memory_space<hbm>> -> memref<1x16xf32, #tpu.memory_space<hbm>>
      %dma_start3A_120 = tpu.memref_squeeze %dma_start3A_119 : memref<1x16xf32, #tpu.memory_space<hbm>> -> memref<16xf32, #tpu.memory_space<hbm>>
      tpu.enqueue_dma source(%arg15 : memref<16xf32, #tpu.memory_space<vmem>>) target(%dma_start3A_120 : memref<16xf32, #tpu.memory_space<hbm>>) target_semaphore(%run_scoped3A_116 : memref<!tpu.dma_semaphore, #tpu.memory_space<semaphore_mem>>)
      %dma_wait3A_121 = tpu.memref_slice %arg7[%run_scoped3A_109, %mul3A_2] : memref<4x512xf32, #tpu.memory_space<hbm>> -> memref<1x16xf32, #tpu.memory_space<hbm>>
      %dma_wait3A_122 = tpu.memref_squeeze %dma_wait3A_121 : memref<1x16xf32, #tpu.memory_space<hbm>> -> memref<16xf32, #tpu.memory_space<hbm>>
      %dma_wait3A_123 = tpu.memref_slice %arg7[%run_scoped3A_109, %mul3A_2] : memref<4x512xf32, #tpu.memory_space<hbm>> -> memref<1x16xf32, #tpu.memory_space<hbm>>
      %dma_wait3A_124 = tpu.memref_squeeze %dma_wait3A_123 : memref<1x16xf32, #tpu.memory_space<hbm>> -> memref<16xf32, #tpu.memory_space<hbm>>
      tpu.wait_dma2 semaphore(%run_scoped3A_116 : memref<!tpu.dma_semaphore, #tpu.memory_space<semaphore_mem>>) src(%arg15 : memref<16xf32, #tpu.memory_space<vmem>>) dst(%dma_wait3A_124 : memref<16xf32, #tpu.memory_space<hbm>>)
      tpu.yield
    }) : () -> ()
    %run_scoped3A_110 = arith.constant 0 : i32
    "tpu.region"() ({
      %run_scoped3A_116 = tpu.sem_alloc : memref<!tpu.dma_semaphore, #tpu.memory_space<semaphore_mem>>
      %dma_start3A_117 = tpu.memref_slice %arg8[%run_scoped3A_110, %mul3A_2] : memref<4x512xf32, #tpu.memory_space<hbm>> -> memref<1x16xf32, #tpu.memory_space<hbm>>
      %dma_start3A_118 = tpu.memref_squeeze %dma_start3A_117 : memref<1x16xf32, #tpu.memory_space<hbm>> -> memref<16xf32, #tpu.memory_space<hbm>>
      %dma_start3A_119 = tpu.memref_slice %arg8[%run_scoped3A_110, %mul3A_2] : memref<4x512xf32, #tpu.memory_space<hbm>> -> memref<1x16xf32, #tpu.memory_space<hbm>>
      %dma_start3A_120 = tpu.memref_squeeze %dma_start3A_119 : memref<1x16xf32, #tpu.memory_space<hbm>> -> memref<16xf32, #tpu.memory_space<hbm>>
      tpu.enqueue_dma source(%arg16 : memref<16xf32, #tpu.memory_space<vmem>>) target(%dma_start3A_120 : memref<16xf32, #tpu.memory_space<hbm>>) target_semaphore(%run_scoped3A_116 : memref<!tpu.dma_semaphore, #tpu.memory_space<semaphore_mem>>)
      %dma_wait3A_121 = tpu.memref_slice %arg8[%run_scoped3A_110, %mul3A_2] : memref<4x512xf32, #tpu.memory_space<hbm>> -> memref<1x16xf32, #tpu.memory_space<hbm>>
      %dma_wait3A_122 = tpu.memref_squeeze %dma_wait3A_121 : memref<1x16xf32, #tpu.memory_space<hbm>> -> memref<16xf32, #tpu.memory_space<hbm>>
      %dma_wait3A_123 = tpu.memref_slice %arg8[%run_scoped3A_110, %mul3A_2] : memref<4x512xf32, #tpu.memory_space<hbm>> -> memref<1x16xf32, #tpu.memory_space<hbm>>
      %dma_wait3A_124 = tpu.memref_squeeze %dma_wait3A_123 : memref<1x16xf32, #tpu.memory_space<hbm>> -> memref<16xf32, #tpu.memory_space<hbm>>
      tpu.wait_dma2 semaphore(%run_scoped3A_116 : memref<!tpu.dma_semaphore, #tpu.memory_space<semaphore_mem>>) src(%arg16 : memref<16xf32, #tpu.memory_space<vmem>>) dst(%dma_wait3A_124 : memref<16xf32, #tpu.memory_space<hbm>>)
      tpu.yield
    }) : () -> ()
    %run_scoped3A_111 = arith.constant 1 : i32
    "tpu.region"() ({
      %run_scoped3A_116 = tpu.sem_alloc : memref<!tpu.dma_semaphore, #tpu.memory_space<semaphore_mem>>
      %dma_start3A_117 = tpu.memref_slice %arg8[%run_scoped3A_111, %mul3A_2] : memref<4x512xf32, #tpu.memory_space<hbm>> -> memref<1x16xf32, #tpu.memory_space<hbm>>
      %dma_start3A_118 = tpu.memref_squeeze %dma_start3A_117 : memref<1x16xf32, #tpu.memory_space<hbm>> -> memref<16xf32, #tpu.memory_space<hbm>>
      %dma_start3A_119 = tpu.memref_slice %arg8[%run_scoped3A_111, %mul3A_2] : memref<4x512xf32, #tpu.memory_space<hbm>> -> memref<1x16xf32, #tpu.memory_space<hbm>>
      %dma_start3A_120 = tpu.memref_squeeze %dma_start3A_119 : memref<1x16xf32, #tpu.memory_space<hbm>> -> memref<16xf32, #tpu.memory_space<hbm>>
      tpu.enqueue_dma source(%arg17 : memref<16xf32, #tpu.memory_space<vmem>>) target(%dma_start3A_120 : memref<16xf32, #tpu.memory_space<hbm>>) target_semaphore(%run_scoped3A_116 : memref<!tpu.dma_semaphore, #tpu.memory_space<semaphore_mem>>)
      %dma_wait3A_121 = tpu.memref_slice %arg8[%run_scoped3A_111, %mul3A_2] : memref<4x512xf32, #tpu.memory_space<hbm>> -> memref<1x16xf32, #tpu.memory_space<hbm>>
      %dma_wait3A_122 = tpu.memref_squeeze %dma_wait3A_121 : memref<1x16xf32, #tpu.memory_space<hbm>> -> memref<16xf32, #tpu.memory_space<hbm>>
      %dma_wait3A_123 = tpu.memref_slice %arg8[%run_scoped3A_111, %mul3A_2] : memref<4x512xf32, #tpu.memory_space<hbm>> -> memref<1x16xf32, #tpu.memory_space<hbm>>
      %dma_wait3A_124 = tpu.memref_squeeze %dma_wait3A_123 : memref<1x16xf32, #tpu.memory_space<hbm>> -> memref<16xf32, #tpu.memory_space<hbm>>
      tpu.wait_dma2 semaphore(%run_scoped3A_116 : memref<!tpu.dma_semaphore, #tpu.memory_space<semaphore_mem>>) src(%arg17 : memref<16xf32, #tpu.memory_space<vmem>>) dst(%dma_wait3A_124 : memref<16xf32, #tpu.memory_space<hbm>>)
      tpu.yield
    }) : () -> ()
    %run_scoped3A_112 = arith.constant 2 : i32
    "tpu.region"() ({
      %run_scoped3A_116 = tpu.sem_alloc : memref<!tpu.dma_semaphore, #tpu.memory_space<semaphore_mem>>
      %dma_start3A_117 = tpu.memref_slice %arg8[%run_scoped3A_112, %mul3A_2] : memref<4x512xf32, #tpu.memory_space<hbm>> -> memref<1x16xf32, #tpu.memory_space<hbm>>
      %dma_start3A_118 = tpu.memref_squeeze %dma_start3A_117 : memref<1x16xf32, #tpu.memory_space<hbm>> -> memref<16xf32, #tpu.memory_space<hbm>>
      %dma_start3A_119 = tpu.memref_slice %arg8[%run_scoped3A_112, %mul3A_2] : memref<4x512xf32, #tpu.memory_space<hbm>> -> memref<1x16xf32, #tpu.memory_space<hbm>>
      %dma_start3A_120 = tpu.memref_squeeze %dma_start3A_119 : memref<1x16xf32, #tpu.memory_space<hbm>> -> memref<16xf32, #tpu.memory_space<hbm>>
      tpu.enqueue_dma source(%arg18 : memref<16xf32, #tpu.memory_space<vmem>>) target(%dma_start3A_120 : memref<16xf32, #tpu.memory_space<hbm>>) target_semaphore(%run_scoped3A_116 : memref<!tpu.dma_semaphore, #tpu.memory_space<semaphore_mem>>)
      %dma_wait3A_121 = tpu.memref_slice %arg8[%run_scoped3A_112, %mul3A_2] : memref<4x512xf32, #tpu.memory_space<hbm>> -> memref<1x16xf32, #tpu.memory_space<hbm>>
      %dma_wait3A_122 = tpu.memref_squeeze %dma_wait3A_121 : memref<1x16xf32, #tpu.memory_space<hbm>> -> memref<16xf32, #tpu.memory_space<hbm>>
      %dma_wait3A_123 = tpu.memref_slice %arg8[%run_scoped3A_112, %mul3A_2] : memref<4x512xf32, #tpu.memory_space<hbm>> -> memref<1x16xf32, #tpu.memory_space<hbm>>
      %dma_wait3A_124 = tpu.memref_squeeze %dma_wait3A_123 : memref<1x16xf32, #tpu.memory_space<hbm>> -> memref<16xf32, #tpu.memory_space<hbm>>
      tpu.wait_dma2 semaphore(%run_scoped3A_116 : memref<!tpu.dma_semaphore, #tpu.memory_space<semaphore_mem>>) src(%arg18 : memref<16xf32, #tpu.memory_space<vmem>>) dst(%dma_wait3A_124 : memref<16xf32, #tpu.memory_space<hbm>>)
      tpu.yield
    }) : () -> ()
    %run_scoped3A_113 = arith.constant 3 : i32
    "tpu.region"() ({
      %run_scoped3A_116 = tpu.sem_alloc : memref<!tpu.dma_semaphore, #tpu.memory_space<semaphore_mem>>
      %dma_start3A_117 = tpu.memref_slice %arg8[%run_scoped3A_113, %mul3A_2] : memref<4x512xf32, #tpu.memory_space<hbm>> -> memref<1x16xf32, #tpu.memory_space<hbm>>
      %dma_start3A_118 = tpu.memref_squeeze %dma_start3A_117 : memref<1x16xf32, #tpu.memory_space<hbm>> -> memref<16xf32, #tpu.memory_space<hbm>>
      %dma_start3A_119 = tpu.memref_slice %arg8[%run_scoped3A_113, %mul3A_2] : memref<4x512xf32, #tpu.memory_space<hbm>> -> memref<1x16xf32, #tpu.memory_space<hbm>>
      %dma_start3A_120 = tpu.memref_squeeze %dma_start3A_119 : memref<1x16xf32, #tpu.memory_space<hbm>> -> memref<16xf32, #tpu.memory_space<hbm>>
      tpu.enqueue_dma source(%arg19 : memref<16xf32, #tpu.memory_space<vmem>>) target(%dma_start3A_120 : memref<16xf32, #tpu.memory_space<hbm>>) target_semaphore(%run_scoped3A_116 : memref<!tpu.dma_semaphore, #tpu.memory_space<semaphore_mem>>)
      %dma_wait3A_121 = tpu.memref_slice %arg8[%run_scoped3A_113, %mul3A_2] : memref<4x512xf32, #tpu.memory_space<hbm>> -> memref<1x16xf32, #tpu.memory_space<hbm>>
      %dma_wait3A_122 = tpu.memref_squeeze %dma_wait3A_121 : memref<1x16xf32, #tpu.memory_space<hbm>> -> memref<16xf32, #tpu.memory_space<hbm>>
      %dma_wait3A_123 = tpu.memref_slice %arg8[%run_scoped3A_113, %mul3A_2] : memref<4x512xf32, #tpu.memory_space<hbm>> -> memref<1x16xf32, #tpu.memory_space<hbm>>
      %dma_wait3A_124 = tpu.memref_squeeze %dma_wait3A_123 : memref<1x16xf32, #tpu.memory_space<hbm>> -> memref<16xf32, #tpu.memory_space<hbm>>
      tpu.wait_dma2 semaphore(%run_scoped3A_116 : memref<!tpu.dma_semaphore, #tpu.memory_space<semaphore_mem>>) src(%arg19 : memref<16xf32, #tpu.memory_space<vmem>>) dst(%dma_wait3A_124 : memref<16xf32, #tpu.memory_space<hbm>>)
      tpu.yield
    }) : () -> ()
    %run_scoped3A_114 = arith.constant 0 : i32
    "tpu.region"() ({
      %run_scoped3A_116 = tpu.sem_alloc : memref<!tpu.dma_semaphore, #tpu.memory_space<semaphore_mem>>
      %dma_start3A_117 = tpu.memref_slice %arg9[%run_scoped3A_114, %mul3A_2] : memref<2x512xf32, #tpu.memory_space<hbm>> -> memref<1x16xf32, #tpu.memory_space<hbm>>
      %dma_start3A_118 = tpu.memref_squeeze %dma_start3A_117 : memref<1x16xf32, #tpu.memory_space<hbm>> -> memref<16xf32, #tpu.memory_space<hbm>>
      %dma_start3A_119 = tpu.memref_slice %arg9[%run_scoped3A_114, %mul3A_2] : memref<2x512xf32, #tpu.memory_space<hbm>> -> memref<1x16xf32, #tpu.memory_space<hbm>>
      %dma_start3A_120 = tpu.memref_squeeze %dma_start3A_119 : memref<1x16xf32, #tpu.memory_space<hbm>> -> memref<16xf32, #tpu.memory_space<hbm>>
      tpu.enqueue_dma source(%arg20 : memref<16xf32, #tpu.memory_space<vmem>>) target(%dma_start3A_120 : memref<16xf32, #tpu.memory_space<hbm>>) target_semaphore(%run_scoped3A_116 : memref<!tpu.dma_semaphore, #tpu.memory_space<semaphore_mem>>)
      %dma_wait3A_121 = tpu.memref_slice %arg9[%run_scoped3A_114, %mul3A_2] : memref<2x512xf32, #tpu.memory_space<hbm>> -> memref<1x16xf32, #tpu.memory_space<hbm>>
      %dma_wait3A_122 = tpu.memref_squeeze %dma_wait3A_121 : memref<1x16xf32, #tpu.memory_space<hbm>> -> memref<16xf32, #tpu.memory_space<hbm>>
      %dma_wait3A_123 = tpu.memref_slice %arg9[%run_scoped3A_114, %mul3A_2] : memref<2x512xf32, #tpu.memory_space<hbm>> -> memref<1x16xf32, #tpu.memory_space<hbm>>
      %dma_wait3A_124 = tpu.memref_squeeze %dma_wait3A_123 : memref<1x16xf32, #tpu.memory_space<hbm>> -> memref<16xf32, #tpu.memory_space<hbm>>
      tpu.wait_dma2 semaphore(%run_scoped3A_116 : memref<!tpu.dma_semaphore, #tpu.memory_space<semaphore_mem>>) src(%arg20 : memref<16xf32, #tpu.memory_space<vmem>>) dst(%dma_wait3A_124 : memref<16xf32, #tpu.memory_space<hbm>>)
      tpu.yield
    }) : () -> ()
    %run_scoped3A_115 = arith.constant 1 : i32
    "tpu.region"() ({
      %run_scoped3A_116 = tpu.sem_alloc : memref<!tpu.dma_semaphore, #tpu.memory_space<semaphore_mem>>
      %dma_start3A_117 = tpu.memref_slice %arg9[%run_scoped3A_115, %mul3A_2] : memref<2x512xf32, #tpu.memory_space<hbm>> -> memref<1x16xf32, #tpu.memory_space<hbm>>
      %dma_start3A_118 = tpu.memref_squeeze %dma_start3A_117 : memref<1x16xf32, #tpu.memory_space<hbm>> -> memref<16xf32, #tpu.memory_space<hbm>>
      %dma_start3A_119 = tpu.memref_slice %arg9[%run_scoped3A_115, %mul3A_2] : memref<2x512xf32, #tpu.memory_space<hbm>> -> memref<1x16xf32, #tpu.memory_space<hbm>>
      %dma_start3A_120 = tpu.memref_squeeze %dma_start3A_119 : memref<1x16xf32, #tpu.memory_space<hbm>> -> memref<16xf32, #tpu.memory_space<hbm>>
      tpu.enqueue_dma source(%arg21 : memref<16xf32, #tpu.memory_space<vmem>>) target(%dma_start3A_120 : memref<16xf32, #tpu.memory_space<hbm>>) target_semaphore(%run_scoped3A_116 : memref<!tpu.dma_semaphore, #tpu.memory_space<semaphore_mem>>)
      %dma_wait3A_121 = tpu.memref_slice %arg9[%run_scoped3A_115, %mul3A_2] : memref<2x512xf32, #tpu.memory_space<hbm>> -> memref<1x16xf32, #tpu.memory_space<hbm>>
      %dma_wait3A_122 = tpu.memref_squeeze %dma_wait3A_121 : memref<1x16xf32, #tpu.memory_space<hbm>> -> memref<16xf32, #tpu.memory_space<hbm>>
      %dma_wait3A_123 = tpu.memref_slice %arg9[%run_scoped3A_115, %mul3A_2] : memref<2x512xf32, #tpu.memory_space<hbm>> -> memref<1x16xf32, #tpu.memory_space<hbm>>
      %dma_wait3A_124 = tpu.memref_squeeze %dma_wait3A_123 : memref<1x16xf32, #tpu.memory_space<hbm>> -> memref<16xf32, #tpu.memory_space<hbm>>
      tpu.wait_dma2 semaphore(%run_scoped3A_116 : memref<!tpu.dma_semaphore, #tpu.memory_space<semaphore_mem>>) src(%arg21 : memref<16xf32, #tpu.memory_space<vmem>>) dst(%dma_wait3A_124 : memref<16xf32, #tpu.memory_space<hbm>>)
      tpu.yield
    }) : () -> ()
    "tpu.region"() ({
      %run_scoped3A_116 = tpu.sem_alloc : memref<!tpu.dma_semaphore, #tpu.memory_space<semaphore_mem>>
      %dma_start3A_117 = tpu.memref_slice %arg10[%mul3A_2] : memref<512xi32, #tpu.memory_space<hbm>> -> memref<16xi32, #tpu.memory_space<hbm>>
      %dma_start3A_118 = tpu.memref_slice %arg10[%mul3A_2] : memref<512xi32, #tpu.memory_space<hbm>> -> memref<16xi32, #tpu.memory_space<hbm>>
      tpu.enqueue_dma source(%arg22 : memref<16xi32, #tpu.memory_space<vmem>>) target(%dma_start3A_118 : memref<16xi32, #tpu.memory_space<hbm>>) target_semaphore(%run_scoped3A_116 : memref<!tpu.dma_semaphore, #tpu.memory_space<semaphore_mem>>)
      %dma_wait3A_119 = tpu.memref_slice %arg10[%mul3A_2] : memref<512xi32, #tpu.memory_space<hbm>> -> memref<16xi32, #tpu.memory_space<hbm>>
      %dma_wait3A_120 = tpu.memref_slice %arg10[%mul3A_2] : memref<512xi32, #tpu.memory_space<hbm>> -> memref<16xi32, #tpu.memory_space<hbm>>
      tpu.wait_dma2 semaphore(%run_scoped3A_116 : memref<!tpu.dma_semaphore, #tpu.memory_space<semaphore_mem>>) src(%arg22 : memref<16xi32, #tpu.memory_space<vmem>>) dst(%dma_wait3A_120 : memref<16xi32, #tpu.memory_space<hbm>>)
      tpu.yield
    }) : () -> ()
    return
  }
}

module attributes {stable_mosaic.version = 14 : i64} {
  func.func @_fused_body(%arg0: i32, %arg1: memref<3200x80xf32, #tpu.memory_space<vmem>>, %arg2: memref<1x25x128xf32, #tpu.memory_space<vmem>>, %arg3: memref<25x25x128xi32, #tpu.memory_space<vmem>>, %arg4: memref<25x25x128xi32, #tpu.memory_space<vmem>>, %arg5: memref<64x6xi32, #tpu.memory_space<vmem>>, %arg6: memref<64x6xf32, #tpu.memory_space<vmem>>, %arg7: memref<25x25x128xf32, #tpu.memory_space<vmem>>, %arg8: memref<4x25x25x128xf32, #tpu.memory_space<vmem>>) attributes {dimension_semantics = [#tpu.dimension_semantics<arbitrary>], iteration_bounds = array<i64: 25>, scalar_prefetch = 0 : i64, scratch_operands = 2 : i64, tpu.core_type = #tpu.core_type<tc>, window_params = [{transform_indices = @transform_0, window_bounds = array<i64: 3200, 80>}, {transform_indices = @transform_1, window_bounds = array<i64: 1, 25, 128>}, {pipeline_mode = #tpu.pipeline_mode<synchronous>, transform_indices = @transform_2, window_bounds = array<i64: 25, 25, 128>}, {pipeline_mode = #tpu.pipeline_mode<synchronous>, transform_indices = @transform_3, window_bounds = array<i64: 25, 25, 128>}, {pipeline_mode = #tpu.pipeline_mode<synchronous>, transform_indices = @transform_4, window_bounds = array<i64: 64, 6>}, {pipeline_mode = #tpu.pipeline_mode<synchronous>, transform_indices = @transform_5, window_bounds = array<i64: 64, 6>}]} {
    %get3A = arith.constant 0 : index
    %get3A_0 = arith.constant 0 : index
    %get3A_1 = vector.load %arg1[%get3A, %get3A_0] : memref<3200x80xf32, #tpu.memory_space<vmem>>, vector<3200x80xf32>
    %reshape3A = vector.shape_cast %get3A_1 : vector<3200x80xf32> to vector<25x128x80xf32>
    %reduce_max3A = arith.constant dense<0xFF800000> : vector<25x128xf32>
    %reduce_max3A_2 = vector.multi_reduction <maximumf>, %reshape3A, %reduce_max3A [2] : vector<25x128x80xf32> to vector<25x128xf32>
    %logistic3A = arith.negf %reduce_max3A_2 : vector<25x128xf32>
    %logistic3A_3 = math.exp %logistic3A : vector<25x128xf32>
    %logistic3A_4 = arith.constant 1.000000e+00 : f32
    %logistic3A_5 = vector.broadcast %logistic3A_4 : f32 to vector<25x128xf32>
    %logistic3A_6 = arith.addf %logistic3A_5, %logistic3A_3 : vector<25x128xf32>
    %logistic3A_7 = arith.divf %logistic3A_5, %logistic3A_6 : vector<25x128xf32>
    %get3A_8 = arith.constant 0 : index
    %get3A_9 = arith.constant 0 : index
    %get3A_10 = arith.constant 0 : index
    %get3A_11 = vector.load %arg2[%get3A_8, %get3A_9, %get3A_10] : memref<1x25x128xf32, #tpu.memory_space<vmem>>, vector<1x25x128xf32>
    %get3A_12 = vector.shape_cast %get3A_11 : vector<1x25x128xf32> to vector<25x128xf32>
    %logistic3A_13 = arith.negf %get3A_12 : vector<25x128xf32>
    %logistic3A_14 = math.exp %logistic3A_13 : vector<25x128xf32>
    %logistic3A_15 = arith.constant 1.000000e+00 : f32
    %logistic3A_16 = vector.broadcast %logistic3A_15 : f32 to vector<25x128xf32>
    %logistic3A_17 = arith.addf %logistic3A_16, %logistic3A_14 : vector<25x128xf32>
    %logistic3A_18 = arith.divf %logistic3A_16, %logistic3A_17 : vector<25x128xf32>
    %mul3A = arith.mulf %logistic3A_7, %logistic3A_18 : vector<25x128xf32>
    %swap3A = arith.index_cast %arg0 : i32 to index
    %swap3A_19 = arith.constant 0 : index
    %swap3A_20 = arith.constant 0 : index
    %swap3A_21 = vector.load %arg7[%swap3A, %swap3A_19, %swap3A_20] : memref<25x25x128xf32, #tpu.memory_space<vmem>>, vector<1x25x128xf32>
    %swap3A_22 = vector.shape_cast %swap3A_21 : vector<1x25x128xf32> to vector<25x128xf32>
    %swap3A_23 = vector.shape_cast %mul3A : vector<25x128xf32> to vector<1x25x128xf32>
    tpu.vector_store %arg7[%swap3A, %swap3A_19, %swap3A_20], %swap3A_23 {strides = array<i32>} : memref<25x25x128xf32, #tpu.memory_space<vmem>>, vector<1x25x128xf32>,
    %eq3A = arith.constant 24 : i32
    %eq3A_24 = arith.cmpi eq, %arg0, %eq3A : i32
    %convert_element_type3A = arith.extui %eq3A_24 : i1 to i32
    %cond3A = arith.constant 0 : i32
    %cond3A_25 = arith.cmpi ne, %convert_element_type3A, %cond3A : i32
    scf.if %cond3A_25 {
      %get3A_26 = arith.constant 0 : index
      %get3A_27 = arith.constant 0 : index
      %get3A_28 = arith.constant 0 : index
      %get3A_29 = vector.load %arg3[%get3A_26, %get3A_27, %get3A_28] : memref<25x25x128xi32, #tpu.memory_space<vmem>>, vector<25x25x128xi32>
      %mul3A_30 = arith.constant 16 : i32
      %mul3A_31 = vector.broadcast %mul3A_30 : i32 to vector<25x25x128xi32>
      %mul3A_32 = arith.muli %get3A_29, %mul3A_31 : vector<25x25x128xi32>
      %get3A_33 = arith.constant 0 : index
      %get3A_34 = arith.constant 0 : index
      %get3A_35 = arith.constant 0 : index
      %get3A_36 = vector.load %arg4[%get3A_33, %get3A_34, %get3A_35] : memref<25x25x128xi32, #tpu.memory_space<vmem>>, vector<25x25x128xi32>
      %add3A = arith.addi %mul3A_32, %get3A_36 : vector<25x25x128xi32>
      %iota3A = tpu.iota {dimensions = array<i32: 0>} : vector<25x128xi32>
      %iota3A_37 = tpu.iota {dimensions = array<i32: 1>} : vector<25x128xi32>
      %mul3A_38 = arith.constant 128 : i32
      %mul3A_39 = vector.broadcast %mul3A_38 : i32 to vector<25x128xi32>
      %mul3A_40 = arith.muli %iota3A, %mul3A_39 : vector<25x128xi32>
      %add3A_41 = arith.addi %mul3A_40, %iota3A_37 : vector<25x128xi32>
      %iota3A_42 = tpu.iota {dimensions = array<i32: 0>} : vector<25x128xi32>
      %iota3A_43 = tpu.iota {dimensions = array<i32: 0>} : vector<64x6xi32>
      %iota3A_44 = tpu.iota {dimensions = array<i32: 1>} : vector<64x6xi32>
      %scan3A = arith.constant 0 : i32
      %scan3A_45 = arith.constant 16 : i32
      %scan3A_46 = arith.addi %scan3A, %scan3A_45 : i32
      %scan3A_47 = arith.constant 1 : i32
      scf.for %scan3A_49 = %scan3A to %scan3A_46 step %scan3A_47  : i32 {
        %mul3A_50 = arith.constant 4 : i32
        %mul3A_51 = arith.muli %scan3A_49, %mul3A_50 : i32
        %add3A_52 = arith.constant 0 : i32
        %add3A_53 = arith.addi %mul3A_51, %add3A_52 : i32
        %eq3A_54 = vector.broadcast %add3A_53 : i32 to vector<25x25x128xi32>
        %eq3A_55 = arith.cmpi eq, %add3A, %eq3A_54 : vector<25x25x128xi32>
        %get3A_56 = arith.constant 0 : index
        %get3A_57 = arith.constant 0 : index
        %get3A_58 = arith.constant 0 : index
        %get3A_59 = vector.load %arg7[%get3A_56, %get3A_57, %get3A_58] : memref<25x25x128xf32, #tpu.memory_space<vmem>>, vector<25x25x128xf32>
        %jit3A = arith.constant -1.000000e+00 : f32
        %broadcast_in_dim3A = vector.broadcast %jit3A : f32 to vector<25x25x128xf32>
        %select_n3A = arith.select %eq3A_55, %get3A_59, %broadcast_in_dim3A : vector<25x25x128xi1>, vector<25x25x128xf32>
        %swap3A_60 = arith.constant 0 : index
        %swap3A_61 = arith.constant 0 : index
        %swap3A_62 = arith.constant 0 : index
        %swap3A_63 = arith.constant 0 : index
        %swap3A_64 = vector.load %arg8[%swap3A_60, %swap3A_61, %swap3A_62, %swap3A_63] : memref<4x25x25x128xf32, #tpu.memory_space<vmem>>, vector<1x25x25x128xf32>
        %swap3A_65 = vector.shape_cast %swap3A_64 : vector<1x25x25x128xf32> to vector<25x25x128xf32>
        %swap3A_66 = vector.shape_cast %select_n3A : vector<25x25x128xf32> to vector<1x25x25x128xf32>
        tpu.vector_store %arg8[%swap3A_60, %swap3A_61, %swap3A_62, %swap3A_63], %swap3A_66 {strides = array<i32>} : memref<4x25x25x128xf32, #tpu.memory_space<vmem>>, vector<1x25x25x128xf32>,
        %mul3A_67 = arith.constant 4 : i32
        %mul3A_68 = arith.muli %scan3A_49, %mul3A_67 : i32
        %add3A_69 = arith.constant 1 : i32
        %add3A_70 = arith.addi %mul3A_68, %add3A_69 : i32
        %eq3A_71 = vector.broadcast %add3A_70 : i32 to vector<25x25x128xi32>
        %eq3A_72 = arith.cmpi eq, %add3A, %eq3A_71 : vector<25x25x128xi32>
        %get3A_73 = arith.constant 0 : index
        %get3A_74 = arith.constant 0 : index
        %get3A_75 = arith.constant 0 : index
        %get3A_76 = vector.load %arg7[%get3A_73, %get3A_74, %get3A_75] : memref<25x25x128xf32, #tpu.memory_space<vmem>>, vector<25x25x128xf32>
        %jit3A_77 = arith.constant -1.000000e+00 : f32
        %broadcast_in_dim3A_78 = vector.broadcast %jit3A_77 : f32 to vector<25x25x128xf32>
        %select_n3A_79 = arith.select %eq3A_72, %get3A_76, %broadcast_in_dim3A_78 : vector<25x25x128xi1>, vector<25x25x128xf32>
        %swap3A_80 = arith.constant 1 : index
        %swap3A_81 = arith.constant 0 : index
        %swap3A_82 = arith.constant 0 : index
        %swap3A_83 = arith.constant 0 : index
        %swap3A_84 = vector.load %arg8[%swap3A_80, %swap3A_81, %swap3A_82, %swap3A_83] : memref<4x25x25x128xf32, #tpu.memory_space<vmem>>, vector<1x25x25x128xf32>
        %swap3A_85 = vector.shape_cast %swap3A_84 : vector<1x25x25x128xf32> to vector<25x25x128xf32>
        %swap3A_86 = vector.shape_cast %select_n3A_79 : vector<25x25x128xf32> to vector<1x25x25x128xf32>
        tpu.vector_store %arg8[%swap3A_80, %swap3A_81, %swap3A_82, %swap3A_83], %swap3A_86 {strides = array<i32>} : memref<4x25x25x128xf32, #tpu.memory_space<vmem>>, vector<1x25x25x128xf32>,
        %mul3A_87 = arith.constant 4 : i32
        %mul3A_88 = arith.muli %scan3A_49, %mul3A_87 : i32
        %add3A_89 = arith.constant 2 : i32
        %add3A_90 = arith.addi %mul3A_88, %add3A_89 : i32
        %eq3A_91 = vector.broadcast %add3A_90 : i32 to vector<25x25x128xi32>
        %eq3A_92 = arith.cmpi eq, %add3A, %eq3A_91 : vector<25x25x128xi32>
        %get3A_93 = arith.constant 0 : index
        %get3A_94 = arith.constant 0 : index
        %get3A_95 = arith.constant 0 : index
        %get3A_96 = vector.load %arg7[%get3A_93, %get3A_94, %get3A_95] : memref<25x25x128xf32, #tpu.memory_space<vmem>>, vector<25x25x128xf32>
        %jit3A_97 = arith.constant -1.000000e+00 : f32
        %broadcast_in_dim3A_98 = vector.broadcast %jit3A_97 : f32 to vector<25x25x128xf32>
        %select_n3A_99 = arith.select %eq3A_92, %get3A_96, %broadcast_in_dim3A_98 : vector<25x25x128xi1>, vector<25x25x128xf32>
        %swap3A_100 = arith.constant 2 : index
        %swap3A_101 = arith.constant 0 : index
        %swap3A_102 = arith.constant 0 : index
        %swap3A_103 = arith.constant 0 : index
        %swap3A_104 = vector.load %arg8[%swap3A_100, %swap3A_101, %swap3A_102, %swap3A_103] : memref<4x25x25x128xf32, #tpu.memory_space<vmem>>, vector<1x25x25x128xf32>
        %swap3A_105 = vector.shape_cast %swap3A_104 : vector<1x25x25x128xf32> to vector<25x25x128xf32>
        %swap3A_106 = vector.shape_cast %select_n3A_99 : vector<25x25x128xf32> to vector<1x25x25x128xf32>
        tpu.vector_store %arg8[%swap3A_100, %swap3A_101, %swap3A_102, %swap3A_103], %swap3A_106 {strides = array<i32>} : memref<4x25x25x128xf32, #tpu.memory_space<vmem>>, vector<1x25x25x128xf32>,
        %mul3A_107 = arith.constant 4 : i32
        %mul3A_108 = arith.muli %scan3A_49, %mul3A_107 : i32
        %add3A_109 = arith.constant 3 : i32
        %add3A_110 = arith.addi %mul3A_108, %add3A_109 : i32
        %eq3A_111 = vector.broadcast %add3A_110 : i32 to vector<25x25x128xi32>
        %eq3A_112 = arith.cmpi eq, %add3A, %eq3A_111 : vector<25x25x128xi32>
        %get3A_113 = arith.constant 0 : index
        %get3A_114 = arith.constant 0 : index
        %get3A_115 = arith.constant 0 : index
        %get3A_116 = vector.load %arg7[%get3A_113, %get3A_114, %get3A_115] : memref<25x25x128xf32, #tpu.memory_space<vmem>>, vector<25x25x128xf32>
        %jit3A_117 = arith.constant -1.000000e+00 : f32
        %broadcast_in_dim3A_118 = vector.broadcast %jit3A_117 : f32 to vector<25x25x128xf32>
        %select_n3A_119 = arith.select %eq3A_112, %get3A_116, %broadcast_in_dim3A_118 : vector<25x25x128xi1>, vector<25x25x128xf32>
        %swap3A_120 = arith.constant 3 : index
        %swap3A_121 = arith.constant 0 : index
        %swap3A_122 = arith.constant 0 : index
        %swap3A_123 = arith.constant 0 : index
        %swap3A_124 = vector.load %arg8[%swap3A_120, %swap3A_121, %swap3A_122, %swap3A_123] : memref<4x25x25x128xf32, #tpu.memory_space<vmem>>, vector<1x25x25x128xf32>
        %swap3A_125 = vector.shape_cast %swap3A_124 : vector<1x25x25x128xf32> to vector<25x25x128xf32>
        %swap3A_126 = vector.shape_cast %select_n3A_119 : vector<25x25x128xf32> to vector<1x25x25x128xf32>
        tpu.vector_store %arg8[%swap3A_120, %swap3A_121, %swap3A_122, %swap3A_123], %swap3A_126 {strides = array<i32>} : memref<4x25x25x128xf32, #tpu.memory_space<vmem>>, vector<1x25x25x128xf32>,
        %get3A_127 = arith.constant 0 : index
        %get3A_128 = arith.constant 0 : index
        %get3A_129 = arith.constant 0 : index
        %get3A_130 = arith.constant 0 : index
        %get3A_131 = vector.load %arg8[%get3A_127, %get3A_128, %get3A_129, %get3A_130] : memref<4x25x25x128xf32, #tpu.memory_space<vmem>>, vector<1x25x25x128xf32>
        %get3A_132 = vector.shape_cast %get3A_131 : vector<1x25x25x128xf32> to vector<25x25x128xf32>
        %reduce_max3A_133 = arith.constant dense<0xFF800000> : vector<25x128xf32>
        %reduce_max3A_134 = vector.multi_reduction <maximumf>, %get3A_132, %reduce_max3A_133 [1] : vector<25x25x128xf32> to vector<25x128xf32>
        %get3A_135 = arith.constant 1 : index
        %get3A_136 = arith.constant 0 : index
        %get3A_137 = arith.constant 0 : index
        %get3A_138 = arith.constant 0 : index
        %get3A_139 = vector.load %arg8[%get3A_135, %get3A_136, %get3A_137, %get3A_138] : memref<4x25x25x128xf32, #tpu.memory_space<vmem>>, vector<1x25x25x128xf32>
        %get3A_140 = vector.shape_cast %get3A_139 : vector<1x25x25x128xf32> to vector<25x25x128xf32>
        %reduce_max3A_141 = arith.constant dense<0xFF800000> : vector<25x128xf32>
        %reduce_max3A_142 = vector.multi_reduction <maximumf>, %get3A_140, %reduce_max3A_141 [1] : vector<25x25x128xf32> to vector<25x128xf32>
        %get3A_143 = arith.constant 2 : index
        %get3A_144 = arith.constant 0 : index
        %get3A_145 = arith.constant 0 : index
        %get3A_146 = arith.constant 0 : index
        %get3A_147 = vector.load %arg8[%get3A_143, %get3A_144, %get3A_145, %get3A_146] : memref<4x25x25x128xf32, #tpu.memory_space<vmem>>, vector<1x25x25x128xf32>
        %get3A_148 = vector.shape_cast %get3A_147 : vector<1x25x25x128xf32> to vector<25x25x128xf32>
        %reduce_max3A_149 = arith.constant dense<0xFF800000> : vector<25x128xf32>
        %reduce_max3A_150 = vector.multi_reduction <maximumf>, %get3A_148, %reduce_max3A_149 [1] : vector<25x25x128xf32> to vector<25x128xf32>
        %get3A_151 = arith.constant 3 : index
        %get3A_152 = arith.constant 0 : index
        %get3A_153 = arith.constant 0 : index
        %get3A_154 = arith.constant 0 : index
        %get3A_155 = vector.load %arg8[%get3A_151, %get3A_152, %get3A_153, %get3A_154] : memref<4x25x25x128xf32, #tpu.memory_space<vmem>>, vector<1x25x25x128xf32>
        %get3A_156 = vector.shape_cast %get3A_155 : vector<1x25x25x128xf32> to vector<25x25x128xf32>
        %reduce_max3A_157 = arith.constant dense<0xFF800000> : vector<25x128xf32>
        %reduce_max3A_158 = vector.multi_reduction <maximumf>, %get3A_156, %reduce_max3A_157 [1] : vector<25x25x128xf32> to vector<25x128xf32>
        %scan3A_159 = arith.constant 0 : i32
        %scan3A_160 = arith.constant 6 : i32
        %scan3A_161 = arith.addi %scan3A_159, %scan3A_160 : i32
        %scan3A_162 = arith.constant 1 : i32
        %scan3A_163:4 = scf.for %scan3A_165 = %scan3A_159 to %scan3A_161 step %scan3A_162 iter_args(%scan3A_166 = %reduce_max3A_134, %scan3A_167 = %reduce_max3A_142, %scan3A_168 = %reduce_max3A_150, %scan3A_169 = %reduce_max3A_158) -> (vector<25x128xf32>, vector<25x128xf32>, vector<25x128xf32>, vector<25x128xf32>)  : i32 {
          %reduce_max3A_170 = vector.shape_cast %scan3A_166 : vector<25x128xf32> to vector<1x25x128xf32>
          %reduce_max3A_171 = arith.constant dense<0xFF800000> : vector<1xf32>
          %reduce_max3A_172 = vector.multi_reduction <maximumf>, %reduce_max3A_170, %reduce_max3A_171 [1, 2] : vector<1x25x128xf32> to vector<1xf32>
          %reduce_max3A_173 = vector.shape_cast %reduce_max3A_172 : vector<1xf32> to vector<1x1x1xf32>
          %reduce_max3A_174 = vector.extract %reduce_max3A_173[0, 0, 0] : f32 from vector<1x1x1xf32>
          %eq3A_175 = vector.broadcast %reduce_max3A_174 : f32 to vector<25x128xf32>
          %eq3A_176 = arith.cmpf oeq, %scan3A_166, %eq3A_175 : vector<25x128xf32>
          %jit3A_177 = arith.constant 25 : i32
          %broadcast_in_dim3A_178 = vector.broadcast %jit3A_177 : i32 to vector<25x128xi32>
          %select_n3A_179 = arith.select %eq3A_176, %iota3A_42, %broadcast_in_dim3A_178 : vector<25x128xi1>, vector<25x128xi32>
          %reduce_min3A = vector.shape_cast %select_n3A_179 : vector<25x128xi32> to vector<1x25x128xi32>
          %reduce_min3A_180 = arith.constant dense<2147483647> : vector<1xi32>
          %reduce_min3A_181 = vector.multi_reduction <minsi>, %reduce_min3A, %reduce_min3A_180 [1, 2] : vector<1x25x128xi32> to vector<1xi32>
          %reduce_min3A_182 = vector.shape_cast %reduce_min3A_181 : vector<1xi32> to vector<1x1x1xi32>
          %reduce_min3A_183 = vector.extract %reduce_min3A_182[0, 0, 0] : i32 from vector<1x1x1xi32>
          %get3A_184 = arith.constant 0 : index
          %get3A_185 = arith.index_cast %reduce_min3A_183 : i32 to index
          %get3A_186 = arith.constant 0 : index
          %get3A_187 = arith.constant 0 : index
          %get3A_188 = vector.load %arg8[%get3A_184, %get3A_185, %get3A_186, %get3A_187] : memref<4x25x25x128xf32, #tpu.memory_space<vmem>>, vector<1x1x25x128xf32>
          %get3A_189 = vector.shape_cast %get3A_188 : vector<1x1x25x128xf32> to vector<25x128xf32>
          %eq3A_190 = vector.broadcast %reduce_max3A_174 : f32 to vector<25x128xf32>
          %eq3A_191 = arith.cmpf oeq, %get3A_189, %eq3A_190 : vector<25x128xf32>
          %jit3A_192 = arith.constant 3200 : i32
          %broadcast_in_dim3A_193 = vector.broadcast %jit3A_192 : i32 to vector<25x128xi32>
          %select_n3A_194 = arith.select %eq3A_191, %add3A_41, %broadcast_in_dim3A_193 : vector<25x128xi1>, vector<25x128xi32>
          %reduce_min3A_195 = vector.shape_cast %select_n3A_194 : vector<25x128xi32> to vector<1x25x128xi32>
          %reduce_min3A_196 = arith.constant dense<2147483647> : vector<1xi32>
          %reduce_min3A_197 = vector.multi_reduction <minsi>, %reduce_min3A_195, %reduce_min3A_196 [1, 2] : vector<1x25x128xi32> to vector<1xi32>
          %reduce_min3A_198 = vector.shape_cast %reduce_min3A_197 : vector<1xi32> to vector<1x1x1xi32>
          %reduce_min3A_199 = vector.extract %reduce_min3A_198[0, 0, 0] : i32 from vector<1x1x1xi32>
          %mul3A_200 = arith.constant 3200 : i32
          %mul3A_201 = arith.muli %reduce_min3A_183, %mul3A_200 : i32
          %add3A_202 = arith.addi %mul3A_201, %reduce_min3A_199 : i32
          %mul3A_203 = arith.constant 4 : i32
          %mul3A_204 = arith.muli %scan3A_49, %mul3A_203 : i32
          %add3A_205 = arith.constant 0 : i32
          %add3A_206 = arith.addi %mul3A_204, %add3A_205 : i32
          %eq3A_207 = vector.broadcast %add3A_206 : i32 to vector<64x6xi32>
          %eq3A_208 = arith.cmpi eq, %iota3A_43, %eq3A_207 : vector<64x6xi32>
          %eq3A_209 = vector.broadcast %scan3A_165 : i32 to vector<64x6xi32>
          %eq3A_210 = arith.cmpi eq, %iota3A_44, %eq3A_209 : vector<64x6xi32>
          %and3A = arith.andi %eq3A_208, %eq3A_210 : vector<64x6xi1>
          %get3A_211 = arith.constant 0 : index
          %get3A_212 = arith.constant 0 : index
          %get3A_213 = vector.load %arg6[%get3A_211, %get3A_212] : memref<64x6xf32, #tpu.memory_space<vmem>>, vector<64x6xf32>
          %broadcast_in_dim3A_214 = vector.broadcast %reduce_max3A_174 : f32 to vector<64x6xf32>
          %select_n3A_215 = arith.select %and3A, %broadcast_in_dim3A_214, %get3A_213 : vector<64x6xi1>, vector<64x6xf32>
          %swap3A_216 = arith.constant 0 : index
          %swap3A_217 = arith.constant 0 : index
          %swap3A_218 = vector.load %arg6[%swap3A_216, %swap3A_217] : memref<64x6xf32, #tpu.memory_space<vmem>>, vector<64x6xf32>
          tpu.vector_store %arg6[%swap3A_216, %swap3A_217], %select_n3A_215 {strides = array<i32>} : memref<64x6xf32, #tpu.memory_space<vmem>>, vector<64x6xf32>,
          %get3A_219 = arith.constant 0 : index
          %get3A_220 = arith.constant 0 : index
          %get3A_221 = vector.load %arg5[%get3A_219, %get3A_220] : memref<64x6xi32, #tpu.memory_space<vmem>>, vector<64x6xi32>
          %broadcast_in_dim3A_222 = vector.broadcast %add3A_202 : i32 to vector<64x6xi32>
          %select_n3A_223 = arith.select %and3A, %broadcast_in_dim3A_222, %get3A_221 : vector<64x6xi1>, vector<64x6xi32>
          %swap3A_224 = arith.constant 0 : index
          %swap3A_225 = arith.constant 0 : index
          %swap3A_226 = vector.load %arg5[%swap3A_224, %swap3A_225] : memref<64x6xi32, #tpu.memory_space<vmem>>, vector<64x6xi32>
          tpu.vector_store %arg5[%swap3A_224, %swap3A_225], %select_n3A_223 {strides = array<i32>} : memref<64x6xi32, #tpu.memory_space<vmem>>, vector<64x6xi32>,
          %eq3A_227 = vector.broadcast %reduce_min3A_199 : i32 to vector<25x128xi32>
          %eq3A_228 = arith.cmpi eq, %add3A_41, %eq3A_227 : vector<25x128xi32>
          %jit3A_229 = arith.constant -1.000000e+00 : f32
          %broadcast_in_dim3A_230 = vector.broadcast %jit3A_229 : f32 to vector<25x128xf32>
          %select_n3A_231 = arith.select %eq3A_228, %broadcast_in_dim3A_230, %get3A_189 : vector<25x128xi1>, vector<25x128xf32>
          %swap3A_232 = arith.constant 0 : index
          %swap3A_233 = arith.index_cast %reduce_min3A_183 : i32 to index
          %swap3A_234 = arith.constant 0 : index
          %swap3A_235 = arith.constant 0 : index
          %swap3A_236 = vector.load %arg8[%swap3A_232, %swap3A_233, %swap3A_234, %swap3A_235] : memref<4x25x25x128xf32, #tpu.memory_space<vmem>>, vector<1x1x25x128xf32>
          %swap3A_237 = vector.shape_cast %swap3A_236 : vector<1x1x25x128xf32> to vector<25x128xf32>
          %swap3A_238 = vector.shape_cast %select_n3A_231 : vector<25x128xf32> to vector<1x1x25x128xf32>
          tpu.vector_store %arg8[%swap3A_232, %swap3A_233, %swap3A_234, %swap3A_235], %swap3A_238 {strides = array<i32>} : memref<4x25x25x128xf32, #tpu.memory_space<vmem>>, vector<1x1x25x128xf32>,
          %eq3A_239 = vector.broadcast %reduce_min3A_183 : i32 to vector<25x128xi32>
          %eq3A_240 = arith.cmpi eq, %iota3A_42, %eq3A_239 : vector<25x128xi32>
          %reduce_max3A_241 = arith.constant dense<0xFF800000> : vector<128xf32>
          %reduce_max3A_242 = vector.multi_reduction <maximumf>, %select_n3A_231, %reduce_max3A_241 [0] : vector<25x128xf32> to vector<128xf32>
          %broadcast_in_dim3A_243 = vector.shape_cast %reduce_max3A_242 : vector<128xf32> to vector<1x128xf32>
          %broadcast_in_dim3A_244 = vector.shape_cast %broadcast_in_dim3A_243 : vector<1x128xf32> to vector<1x128xf32>
          %broadcast_in_dim3A_245 = vector.broadcast %broadcast_in_dim3A_244 : vector<1x128xf32> to vector<25x128xf32>
          %select_n3A_246 = arith.select %eq3A_240, %broadcast_in_dim3A_245, %scan3A_166 : vector<25x128xi1>, vector<25x128xf32>
          %reduce_max3A_247 = vector.shape_cast %scan3A_167 : vector<25x128xf32> to vector<1x25x128xf32>
          %reduce_max3A_248 = arith.constant dense<0xFF800000> : vector<1xf32>
          %reduce_max3A_249 = vector.multi_reduction <maximumf>, %reduce_max3A_247, %reduce_max3A_248 [1, 2] : vector<1x25x128xf32> to vector<1xf32>
          %reduce_max3A_250 = vector.shape_cast %reduce_max3A_249 : vector<1xf32> to vector<1x1x1xf32>
          %reduce_max3A_251 = vector.extract %reduce_max3A_250[0, 0, 0] : f32 from vector<1x1x1xf32>
          %eq3A_252 = vector.broadcast %reduce_max3A_251 : f32 to vector<25x128xf32>
          %eq3A_253 = arith.cmpf oeq, %scan3A_167, %eq3A_252 : vector<25x128xf32>
          %jit3A_254 = arith.constant 25 : i32
          %broadcast_in_dim3A_255 = vector.broadcast %jit3A_254 : i32 to vector<25x128xi32>
          %select_n3A_256 = arith.select %eq3A_253, %iota3A_42, %broadcast_in_dim3A_255 : vector<25x128xi1>, vector<25x128xi32>
          %reduce_min3A_257 = vector.shape_cast %select_n3A_256 : vector<25x128xi32> to vector<1x25x128xi32>
          %reduce_min3A_258 = arith.constant dense<2147483647> : vector<1xi32>
          %reduce_min3A_259 = vector.multi_reduction <minsi>, %reduce_min3A_257, %reduce_min3A_258 [1, 2] : vector<1x25x128xi32> to vector<1xi32>
          %reduce_min3A_260 = vector.shape_cast %reduce_min3A_259 : vector<1xi32> to vector<1x1x1xi32>
          %reduce_min3A_261 = vector.extract %reduce_min3A_260[0, 0, 0] : i32 from vector<1x1x1xi32>
          %get3A_262 = arith.constant 1 : index
          %get3A_263 = arith.index_cast %reduce_min3A_261 : i32 to index
          %get3A_264 = arith.constant 0 : index
          %get3A_265 = arith.constant 0 : index
          %get3A_266 = vector.load %arg8[%get3A_262, %get3A_263, %get3A_264, %get3A_265] : memref<4x25x25x128xf32, #tpu.memory_space<vmem>>, vector<1x1x25x128xf32>
          %get3A_267 = vector.shape_cast %get3A_266 : vector<1x1x25x128xf32> to vector<25x128xf32>
          %eq3A_268 = vector.broadcast %reduce_max3A_251 : f32 to vector<25x128xf32>
          %eq3A_269 = arith.cmpf oeq, %get3A_267, %eq3A_268 : vector<25x128xf32>
          %jit3A_270 = arith.constant 3200 : i32
          %broadcast_in_dim3A_271 = vector.broadcast %jit3A_270 : i32 to vector<25x128xi32>
          %select_n3A_272 = arith.select %eq3A_269, %add3A_41, %broadcast_in_dim3A_271 : vector<25x128xi1>, vector<25x128xi32>
          %reduce_min3A_273 = vector.shape_cast %select_n3A_272 : vector<25x128xi32> to vector<1x25x128xi32>
          %reduce_min3A_274 = arith.constant dense<2147483647> : vector<1xi32>
          %reduce_min3A_275 = vector.multi_reduction <minsi>, %reduce_min3A_273, %reduce_min3A_274 [1, 2] : vector<1x25x128xi32> to vector<1xi32>
          %reduce_min3A_276 = vector.shape_cast %reduce_min3A_275 : vector<1xi32> to vector<1x1x1xi32>
          %reduce_min3A_277 = vector.extract %reduce_min3A_276[0, 0, 0] : i32 from vector<1x1x1xi32>
          %mul3A_278 = arith.constant 3200 : i32
          %mul3A_279 = arith.muli %reduce_min3A_261, %mul3A_278 : i32
          %add3A_280 = arith.addi %mul3A_279, %reduce_min3A_277 : i32
          %mul3A_281 = arith.constant 4 : i32
          %mul3A_282 = arith.muli %scan3A_49, %mul3A_281 : i32
          %add3A_283 = arith.constant 1 : i32
          %add3A_284 = arith.addi %mul3A_282, %add3A_283 : i32
          %eq3A_285 = vector.broadcast %add3A_284 : i32 to vector<64x6xi32>
          %eq3A_286 = arith.cmpi eq, %iota3A_43, %eq3A_285 : vector<64x6xi32>
          %eq3A_287 = vector.broadcast %scan3A_165 : i32 to vector<64x6xi32>
          %eq3A_288 = arith.cmpi eq, %iota3A_44, %eq3A_287 : vector<64x6xi32>
          %and3A_289 = arith.andi %eq3A_286, %eq3A_288 : vector<64x6xi1>
          %get3A_290 = arith.constant 0 : index
          %get3A_291 = arith.constant 0 : index
          %get3A_292 = vector.load %arg6[%get3A_290, %get3A_291] : memref<64x6xf32, #tpu.memory_space<vmem>>, vector<64x6xf32>
          %broadcast_in_dim3A_293 = vector.broadcast %reduce_max3A_251 : f32 to vector<64x6xf32>
          %select_n3A_294 = arith.select %and3A_289, %broadcast_in_dim3A_293, %get3A_292 : vector<64x6xi1>, vector<64x6xf32>
          %swap3A_295 = arith.constant 0 : index
          %swap3A_296 = arith.constant 0 : index
          %swap3A_297 = vector.load %arg6[%swap3A_295, %swap3A_296] : memref<64x6xf32, #tpu.memory_space<vmem>>, vector<64x6xf32>
          tpu.vector_store %arg6[%swap3A_295, %swap3A_296], %select_n3A_294 {strides = array<i32>} : memref<64x6xf32, #tpu.memory_space<vmem>>, vector<64x6xf32>,
          %get3A_298 = arith.constant 0 : index
          %get3A_299 = arith.constant 0 : index
          %get3A_300 = vector.load %arg5[%get3A_298, %get3A_299] : memref<64x6xi32, #tpu.memory_space<vmem>>, vector<64x6xi32>
          %broadcast_in_dim3A_301 = vector.broadcast %add3A_280 : i32 to vector<64x6xi32>
          %select_n3A_302 = arith.select %and3A_289, %broadcast_in_dim3A_301, %get3A_300 : vector<64x6xi1>, vector<64x6xi32>
          %swap3A_303 = arith.constant 0 : index
          %swap3A_304 = arith.constant 0 : index
          %swap3A_305 = vector.load %arg5[%swap3A_303, %swap3A_304] : memref<64x6xi32, #tpu.memory_space<vmem>>, vector<64x6xi32>
          tpu.vector_store %arg5[%swap3A_303, %swap3A_304], %select_n3A_302 {strides = array<i32>} : memref<64x6xi32, #tpu.memory_space<vmem>>, vector<64x6xi32>,
          %eq3A_306 = vector.broadcast %reduce_min3A_277 : i32 to vector<25x128xi32>
          %eq3A_307 = arith.cmpi eq, %add3A_41, %eq3A_306 : vector<25x128xi32>
          %jit3A_308 = arith.constant -1.000000e+00 : f32
          %broadcast_in_dim3A_309 = vector.broadcast %jit3A_308 : f32 to vector<25x128xf32>
          %select_n3A_310 = arith.select %eq3A_307, %broadcast_in_dim3A_309, %get3A_267 : vector<25x128xi1>, vector<25x128xf32>
          %swap3A_311 = arith.constant 1 : index
          %swap3A_312 = arith.index_cast %reduce_min3A_261 : i32 to index
          %swap3A_313 = arith.constant 0 : index
          %swap3A_314 = arith.constant 0 : index
          %swap3A_315 = vector.load %arg8[%swap3A_311, %swap3A_312, %swap3A_313, %swap3A_314] : memref<4x25x25x128xf32, #tpu.memory_space<vmem>>, vector<1x1x25x128xf32>
          %swap3A_316 = vector.shape_cast %swap3A_315 : vector<1x1x25x128xf32> to vector<25x128xf32>
          %swap3A_317 = vector.shape_cast %select_n3A_310 : vector<25x128xf32> to vector<1x1x25x128xf32>
          tpu.vector_store %arg8[%swap3A_311, %swap3A_312, %swap3A_313, %swap3A_314], %swap3A_317 {strides = array<i32>} : memref<4x25x25x128xf32, #tpu.memory_space<vmem>>, vector<1x1x25x128xf32>,
          %eq3A_318 = vector.broadcast %reduce_min3A_261 : i32 to vector<25x128xi32>
          %eq3A_319 = arith.cmpi eq, %iota3A_42, %eq3A_318 : vector<25x128xi32>
          %reduce_max3A_320 = arith.constant dense<0xFF800000> : vector<128xf32>
          %reduce_max3A_321 = vector.multi_reduction <maximumf>, %select_n3A_310, %reduce_max3A_320 [0] : vector<25x128xf32> to vector<128xf32>
          %broadcast_in_dim3A_322 = vector.shape_cast %reduce_max3A_321 : vector<128xf32> to vector<1x128xf32>
          %broadcast_in_dim3A_323 = vector.shape_cast %broadcast_in_dim3A_322 : vector<1x128xf32> to vector<1x128xf32>
          %broadcast_in_dim3A_324 = vector.broadcast %broadcast_in_dim3A_323 : vector<1x128xf32> to vector<25x128xf32>
          %select_n3A_325 = arith.select %eq3A_319, %broadcast_in_dim3A_324, %scan3A_167 : vector<25x128xi1>, vector<25x128xf32>
          %reduce_max3A_326 = vector.shape_cast %scan3A_168 : vector<25x128xf32> to vector<1x25x128xf32>
          %reduce_max3A_327 = arith.constant dense<0xFF800000> : vector<1xf32>
          %reduce_max3A_328 = vector.multi_reduction <maximumf>, %reduce_max3A_326, %reduce_max3A_327 [1, 2] : vector<1x25x128xf32> to vector<1xf32>
          %reduce_max3A_329 = vector.shape_cast %reduce_max3A_328 : vector<1xf32> to vector<1x1x1xf32>
          %reduce_max3A_330 = vector.extract %reduce_max3A_329[0, 0, 0] : f32 from vector<1x1x1xf32>
          %eq3A_331 = vector.broadcast %reduce_max3A_330 : f32 to vector<25x128xf32>
          %eq3A_332 = arith.cmpf oeq, %scan3A_168, %eq3A_331 : vector<25x128xf32>
          %jit3A_333 = arith.constant 25 : i32
          %broadcast_in_dim3A_334 = vector.broadcast %jit3A_333 : i32 to vector<25x128xi32>
          %select_n3A_335 = arith.select %eq3A_332, %iota3A_42, %broadcast_in_dim3A_334 : vector<25x128xi1>, vector<25x128xi32>
          %reduce_min3A_336 = vector.shape_cast %select_n3A_335 : vector<25x128xi32> to vector<1x25x128xi32>
          %reduce_min3A_337 = arith.constant dense<2147483647> : vector<1xi32>
          %reduce_min3A_338 = vector.multi_reduction <minsi>, %reduce_min3A_336, %reduce_min3A_337 [1, 2] : vector<1x25x128xi32> to vector<1xi32>
          %reduce_min3A_339 = vector.shape_cast %reduce_min3A_338 : vector<1xi32> to vector<1x1x1xi32>
          %reduce_min3A_340 = vector.extract %reduce_min3A_339[0, 0, 0] : i32 from vector<1x1x1xi32>
          %get3A_341 = arith.constant 2 : index
          %get3A_342 = arith.index_cast %reduce_min3A_340 : i32 to index
          %get3A_343 = arith.constant 0 : index
          %get3A_344 = arith.constant 0 : index
          %get3A_345 = vector.load %arg8[%get3A_341, %get3A_342, %get3A_343, %get3A_344] : memref<4x25x25x128xf32, #tpu.memory_space<vmem>>, vector<1x1x25x128xf32>
          %get3A_346 = vector.shape_cast %get3A_345 : vector<1x1x25x128xf32> to vector<25x128xf32>
          %eq3A_347 = vector.broadcast %reduce_max3A_330 : f32 to vector<25x128xf32>
          %eq3A_348 = arith.cmpf oeq, %get3A_346, %eq3A_347 : vector<25x128xf32>
          %jit3A_349 = arith.constant 3200 : i32
          %broadcast_in_dim3A_350 = vector.broadcast %jit3A_349 : i32 to vector<25x128xi32>
          %select_n3A_351 = arith.select %eq3A_348, %add3A_41, %broadcast_in_dim3A_350 : vector<25x128xi1>, vector<25x128xi32>
          %reduce_min3A_352 = vector.shape_cast %select_n3A_351 : vector<25x128xi32> to vector<1x25x128xi32>
          %reduce_min3A_353 = arith.constant dense<2147483647> : vector<1xi32>
          %reduce_min3A_354 = vector.multi_reduction <minsi>, %reduce_min3A_352, %reduce_min3A_353 [1, 2] : vector<1x25x128xi32> to vector<1xi32>
          %reduce_min3A_355 = vector.shape_cast %reduce_min3A_354 : vector<1xi32> to vector<1x1x1xi32>
          %reduce_min3A_356 = vector.extract %reduce_min3A_355[0, 0, 0] : i32 from vector<1x1x1xi32>
          %mul3A_357 = arith.constant 3200 : i32
          %mul3A_358 = arith.muli %reduce_min3A_340, %mul3A_357 : i32
          %add3A_359 = arith.addi %mul3A_358, %reduce_min3A_356 : i32
          %mul3A_360 = arith.constant 4 : i32
          %mul3A_361 = arith.muli %scan3A_49, %mul3A_360 : i32
          %add3A_362 = arith.constant 2 : i32
          %add3A_363 = arith.addi %mul3A_361, %add3A_362 : i32
          %eq3A_364 = vector.broadcast %add3A_363 : i32 to vector<64x6xi32>
          %eq3A_365 = arith.cmpi eq, %iota3A_43, %eq3A_364 : vector<64x6xi32>
          %eq3A_366 = vector.broadcast %scan3A_165 : i32 to vector<64x6xi32>
          %eq3A_367 = arith.cmpi eq, %iota3A_44, %eq3A_366 : vector<64x6xi32>
          %and3A_368 = arith.andi %eq3A_365, %eq3A_367 : vector<64x6xi1>
          %get3A_369 = arith.constant 0 : index
          %get3A_370 = arith.constant 0 : index
          %get3A_371 = vector.load %arg6[%get3A_369, %get3A_370] : memref<64x6xf32, #tpu.memory_space<vmem>>, vector<64x6xf32>
          %broadcast_in_dim3A_372 = vector.broadcast %reduce_max3A_330 : f32 to vector<64x6xf32>
          %select_n3A_373 = arith.select %and3A_368, %broadcast_in_dim3A_372, %get3A_371 : vector<64x6xi1>, vector<64x6xf32>
          %swap3A_374 = arith.constant 0 : index
          %swap3A_375 = arith.constant 0 : index
          %swap3A_376 = vector.load %arg6[%swap3A_374, %swap3A_375] : memref<64x6xf32, #tpu.memory_space<vmem>>, vector<64x6xf32>
          tpu.vector_store %arg6[%swap3A_374, %swap3A_375], %select_n3A_373 {strides = array<i32>} : memref<64x6xf32, #tpu.memory_space<vmem>>, vector<64x6xf32>,
          %get3A_377 = arith.constant 0 : index
          %get3A_378 = arith.constant 0 : index
          %get3A_379 = vector.load %arg5[%get3A_377, %get3A_378] : memref<64x6xi32, #tpu.memory_space<vmem>>, vector<64x6xi32>
          %broadcast_in_dim3A_380 = vector.broadcast %add3A_359 : i32 to vector<64x6xi32>
          %select_n3A_381 = arith.select %and3A_368, %broadcast_in_dim3A_380, %get3A_379 : vector<64x6xi1>, vector<64x6xi32>
          %swap3A_382 = arith.constant 0 : index
          %swap3A_383 = arith.constant 0 : index
          %swap3A_384 = vector.load %arg5[%swap3A_382, %swap3A_383] : memref<64x6xi32, #tpu.memory_space<vmem>>, vector<64x6xi32>
          tpu.vector_store %arg5[%swap3A_382, %swap3A_383], %select_n3A_381 {strides = array<i32>} : memref<64x6xi32, #tpu.memory_space<vmem>>, vector<64x6xi32>,
          %eq3A_385 = vector.broadcast %reduce_min3A_356 : i32 to vector<25x128xi32>
          %eq3A_386 = arith.cmpi eq, %add3A_41, %eq3A_385 : vector<25x128xi32>
          %jit3A_387 = arith.constant -1.000000e+00 : f32
          %broadcast_in_dim3A_388 = vector.broadcast %jit3A_387 : f32 to vector<25x128xf32>
          %select_n3A_389 = arith.select %eq3A_386, %broadcast_in_dim3A_388, %get3A_346 : vector<25x128xi1>, vector<25x128xf32>
          %swap3A_390 = arith.constant 2 : index
          %swap3A_391 = arith.index_cast %reduce_min3A_340 : i32 to index
          %swap3A_392 = arith.constant 0 : index
          %swap3A_393 = arith.constant 0 : index
          %swap3A_394 = vector.load %arg8[%swap3A_390, %swap3A_391, %swap3A_392, %swap3A_393] : memref<4x25x25x128xf32, #tpu.memory_space<vmem>>, vector<1x1x25x128xf32>
          %swap3A_395 = vector.shape_cast %swap3A_394 : vector<1x1x25x128xf32> to vector<25x128xf32>
          %swap3A_396 = vector.shape_cast %select_n3A_389 : vector<25x128xf32> to vector<1x1x25x128xf32>
          tpu.vector_store %arg8[%swap3A_390, %swap3A_391, %swap3A_392, %swap3A_393], %swap3A_396 {strides = array<i32>} : memref<4x25x25x128xf32, #tpu.memory_space<vmem>>, vector<1x1x25x128xf32>,
          %eq3A_397 = vector.broadcast %reduce_min3A_340 : i32 to vector<25x128xi32>
          %eq3A_398 = arith.cmpi eq, %iota3A_42, %eq3A_397 : vector<25x128xi32>
          %reduce_max3A_399 = arith.constant dense<0xFF800000> : vector<128xf32>
          %reduce_max3A_400 = vector.multi_reduction <maximumf>, %select_n3A_389, %reduce_max3A_399 [0] : vector<25x128xf32> to vector<128xf32>
          %broadcast_in_dim3A_401 = vector.shape_cast %reduce_max3A_400 : vector<128xf32> to vector<1x128xf32>
          %broadcast_in_dim3A_402 = vector.shape_cast %broadcast_in_dim3A_401 : vector<1x128xf32> to vector<1x128xf32>
          %broadcast_in_dim3A_403 = vector.broadcast %broadcast_in_dim3A_402 : vector<1x128xf32> to vector<25x128xf32>
          %select_n3A_404 = arith.select %eq3A_398, %broadcast_in_dim3A_403, %scan3A_168 : vector<25x128xi1>, vector<25x128xf32>
          %reduce_max3A_405 = vector.shape_cast %scan3A_169 : vector<25x128xf32> to vector<1x25x128xf32>
          %reduce_max3A_406 = arith.constant dense<0xFF800000> : vector<1xf32>
          %reduce_max3A_407 = vector.multi_reduction <maximumf>, %reduce_max3A_405, %reduce_max3A_406 [1, 2] : vector<1x25x128xf32> to vector<1xf32>
          %reduce_max3A_408 = vector.shape_cast %reduce_max3A_407 : vector<1xf32> to vector<1x1x1xf32>
          %reduce_max3A_409 = vector.extract %reduce_max3A_408[0, 0, 0] : f32 from vector<1x1x1xf32>
          %eq3A_410 = vector.broadcast %reduce_max3A_409 : f32 to vector<25x128xf32>
          %eq3A_411 = arith.cmpf oeq, %scan3A_169, %eq3A_410 : vector<25x128xf32>
          %jit3A_412 = arith.constant 25 : i32
          %broadcast_in_dim3A_413 = vector.broadcast %jit3A_412 : i32 to vector<25x128xi32>
          %select_n3A_414 = arith.select %eq3A_411, %iota3A_42, %broadcast_in_dim3A_413 : vector<25x128xi1>, vector<25x128xi32>
          %reduce_min3A_415 = vector.shape_cast %select_n3A_414 : vector<25x128xi32> to vector<1x25x128xi32>
          %reduce_min3A_416 = arith.constant dense<2147483647> : vector<1xi32>
          %reduce_min3A_417 = vector.multi_reduction <minsi>, %reduce_min3A_415, %reduce_min3A_416 [1, 2] : vector<1x25x128xi32> to vector<1xi32>
          %reduce_min3A_418 = vector.shape_cast %reduce_min3A_417 : vector<1xi32> to vector<1x1x1xi32>
          %reduce_min3A_419 = vector.extract %reduce_min3A_418[0, 0, 0] : i32 from vector<1x1x1xi32>
          %get3A_420 = arith.constant 3 : index
          %get3A_421 = arith.index_cast %reduce_min3A_419 : i32 to index
          %get3A_422 = arith.constant 0 : index
          %get3A_423 = arith.constant 0 : index
          %get3A_424 = vector.load %arg8[%get3A_420, %get3A_421, %get3A_422, %get3A_423] : memref<4x25x25x128xf32, #tpu.memory_space<vmem>>, vector<1x1x25x128xf32>
          %get3A_425 = vector.shape_cast %get3A_424 : vector<1x1x25x128xf32> to vector<25x128xf32>
          %eq3A_426 = vector.broadcast %reduce_max3A_409 : f32 to vector<25x128xf32>
          %eq3A_427 = arith.cmpf oeq, %get3A_425, %eq3A_426 : vector<25x128xf32>
          %jit3A_428 = arith.constant 3200 : i32
          %broadcast_in_dim3A_429 = vector.broadcast %jit3A_428 : i32 to vector<25x128xi32>
          %select_n3A_430 = arith.select %eq3A_427, %add3A_41, %broadcast_in_dim3A_429 : vector<25x128xi1>, vector<25x128xi32>
          %reduce_min3A_431 = vector.shape_cast %select_n3A_430 : vector<25x128xi32> to vector<1x25x128xi32>
          %reduce_min3A_432 = arith.constant dense<2147483647> : vector<1xi32>
          %reduce_min3A_433 = vector.multi_reduction <minsi>, %reduce_min3A_431, %reduce_min3A_432 [1, 2] : vector<1x25x128xi32> to vector<1xi32>
          %reduce_min3A_434 = vector.shape_cast %reduce_min3A_433 : vector<1xi32> to vector<1x1x1xi32>
          %reduce_min3A_435 = vector.extract %reduce_min3A_434[0, 0, 0] : i32 from vector<1x1x1xi32>
          %mul3A_436 = arith.constant 3200 : i32
          %mul3A_437 = arith.muli %reduce_min3A_419, %mul3A_436 : i32
          %add3A_438 = arith.addi %mul3A_437, %reduce_min3A_435 : i32
          %mul3A_439 = arith.constant 4 : i32
          %mul3A_440 = arith.muli %scan3A_49, %mul3A_439 : i32
          %add3A_441 = arith.constant 3 : i32
          %add3A_442 = arith.addi %mul3A_440, %add3A_441 : i32
          %eq3A_443 = vector.broadcast %add3A_442 : i32 to vector<64x6xi32>
          %eq3A_444 = arith.cmpi eq, %iota3A_43, %eq3A_443 : vector<64x6xi32>
          %eq3A_445 = vector.broadcast %scan3A_165 : i32 to vector<64x6xi32>
          %eq3A_446 = arith.cmpi eq, %iota3A_44, %eq3A_445 : vector<64x6xi32>
          %and3A_447 = arith.andi %eq3A_444, %eq3A_446 : vector<64x6xi1>
          %get3A_448 = arith.constant 0 : index
          %get3A_449 = arith.constant 0 : index
          %get3A_450 = vector.load %arg6[%get3A_448, %get3A_449] : memref<64x6xf32, #tpu.memory_space<vmem>>, vector<64x6xf32>
          %broadcast_in_dim3A_451 = vector.broadcast %reduce_max3A_409 : f32 to vector<64x6xf32>
          %select_n3A_452 = arith.select %and3A_447, %broadcast_in_dim3A_451, %get3A_450 : vector<64x6xi1>, vector<64x6xf32>
          %swap3A_453 = arith.constant 0 : index
          %swap3A_454 = arith.constant 0 : index
          %swap3A_455 = vector.load %arg6[%swap3A_453, %swap3A_454] : memref<64x6xf32, #tpu.memory_space<vmem>>, vector<64x6xf32>
          tpu.vector_store %arg6[%swap3A_453, %swap3A_454], %select_n3A_452 {strides = array<i32>} : memref<64x6xf32, #tpu.memory_space<vmem>>, vector<64x6xf32>,
          %get3A_456 = arith.constant 0 : index
          %get3A_457 = arith.constant 0 : index
          %get3A_458 = vector.load %arg5[%get3A_456, %get3A_457] : memref<64x6xi32, #tpu.memory_space<vmem>>, vector<64x6xi32>
          %broadcast_in_dim3A_459 = vector.broadcast %add3A_438 : i32 to vector<64x6xi32>
          %select_n3A_460 = arith.select %and3A_447, %broadcast_in_dim3A_459, %get3A_458 : vector<64x6xi1>, vector<64x6xi32>
          %swap3A_461 = arith.constant 0 : index
          %swap3A_462 = arith.constant 0 : index
          %swap3A_463 = vector.load %arg5[%swap3A_461, %swap3A_462] : memref<64x6xi32, #tpu.memory_space<vmem>>, vector<64x6xi32>
          tpu.vector_store %arg5[%swap3A_461, %swap3A_462], %select_n3A_460 {strides = array<i32>} : memref<64x6xi32, #tpu.memory_space<vmem>>, vector<64x6xi32>,
          %eq3A_464 = vector.broadcast %reduce_min3A_435 : i32 to vector<25x128xi32>
          %eq3A_465 = arith.cmpi eq, %add3A_41, %eq3A_464 : vector<25x128xi32>
          %jit3A_466 = arith.constant -1.000000e+00 : f32
          %broadcast_in_dim3A_467 = vector.broadcast %jit3A_466 : f32 to vector<25x128xf32>
          %select_n3A_468 = arith.select %eq3A_465, %broadcast_in_dim3A_467, %get3A_425 : vector<25x128xi1>, vector<25x128xf32>
          %swap3A_469 = arith.constant 3 : index
          %swap3A_470 = arith.index_cast %reduce_min3A_419 : i32 to index
          %swap3A_471 = arith.constant 0 : index
          %swap3A_472 = arith.constant 0 : index
          %swap3A_473 = vector.load %arg8[%swap3A_469, %swap3A_470, %swap3A_471, %swap3A_472] : memref<4x25x25x128xf32, #tpu.memory_space<vmem>>, vector<1x1x25x128xf32>
          %swap3A_474 = vector.shape_cast %swap3A_473 : vector<1x1x25x128xf32> to vector<25x128xf32>
          %swap3A_475 = vector.shape_cast %select_n3A_468 : vector<25x128xf32> to vector<1x1x25x128xf32>
          tpu.vector_store %arg8[%swap3A_469, %swap3A_470, %swap3A_471, %swap3A_472], %swap3A_475 {strides = array<i32>} : memref<4x25x25x128xf32, #tpu.memory_space<vmem>>, vector<1x1x25x128xf32>,
          %eq3A_476 = vector.broadcast %reduce_min3A_419 : i32 to vector<25x128xi32>
          %eq3A_477 = arith.cmpi eq, %iota3A_42, %eq3A_476 : vector<25x128xi32>
          %reduce_max3A_478 = arith.constant dense<0xFF800000> : vector<128xf32>
          %reduce_max3A_479 = vector.multi_reduction <maximumf>, %select_n3A_468, %reduce_max3A_478 [0] : vector<25x128xf32> to vector<128xf32>
          %broadcast_in_dim3A_480 = vector.shape_cast %reduce_max3A_479 : vector<128xf32> to vector<1x128xf32>
          %broadcast_in_dim3A_481 = vector.shape_cast %broadcast_in_dim3A_480 : vector<1x128xf32> to vector<1x128xf32>
          %broadcast_in_dim3A_482 = vector.broadcast %broadcast_in_dim3A_481 : vector<1x128xf32> to vector<25x128xf32>
          %select_n3A_483 = arith.select %eq3A_477, %broadcast_in_dim3A_482, %scan3A_169 : vector<25x128xi1>, vector<25x128xf32>
          scf.yield %select_n3A_246, %select_n3A_325, %select_n3A_404, %select_n3A_483 : vector<25x128xf32>, vector<25x128xf32>, vector<25x128xf32>, vector<25x128xf32>
        }
        %scan3A_164 = arith.constant 6 : i32
      }
      %scan3A_48 = arith.constant 16 : i32
    } else {
    }
    return
  }
  func.func @transform_0(%arg0: i32) -> (i32, i32) {
    %c0_i32 = arith.constant 0 : i32
    %c0_i32_0 = arith.constant 0 : i32
    return %arg0, %c0_i32 : i32, i32
  }
  func.func @transform_1(%arg0: i32) -> (i32, i32, i32) {
    %c0_i32 = arith.constant 0 : i32
    %c0_i32_0 = arith.constant 0 : i32
    %c0_i32_1 = arith.constant 0 : i32
    return %arg0, %c0_i32, %c0_i32_0 : i32, i32, i32
  }
  func.func @transform_2(%arg0: i32) -> (i32, i32, i32) {
    %c0_i32 = arith.constant 0 : i32
    %c0_i32_0 = arith.constant 0 : i32
    %c0_i32_1 = arith.constant 0 : i32
    %c0_i32_2 = arith.constant 0 : i32
    return %c0_i32, %c0_i32_0, %c0_i32_1 : i32, i32, i32
  }
  func.func @transform_3(%arg0: i32) -> (i32, i32, i32) {
    %c0_i32 = arith.constant 0 : i32
    %c0_i32_0 = arith.constant 0 : i32
    %c0_i32_1 = arith.constant 0 : i32
    %c0_i32_2 = arith.constant 0 : i32
    return %c0_i32, %c0_i32_0, %c0_i32_1 : i32, i32, i32
  }
  func.func @transform_4(%arg0: i32) -> (i32, i32) {
    %c0_i32 = arith.constant 0 : i32
    %c0_i32_0 = arith.constant 0 : i32
    %c0_i32_1 = arith.constant 0 : i32
    return %c0_i32, %c0_i32_0 : i32, i32
  }
  func.func @transform_5(%arg0: i32) -> (i32, i32) {
    %c0_i32 = arith.constant 0 : i32
    %c0_i32_0 = arith.constant 0 : i32
    %c0_i32_1 = arith.constant 0 : i32
    return %c0_i32, %c0_i32_0 : i32, i32
  }
}

module attributes {stable_mosaic.version = 14 : i64} {
  func.func @_decode_body(%arg0: memref<384x4xf32, #tpu.memory_space<vmem>>, %arg1: memref<384x4xf32, #tpu.memory_space<vmem>>, %arg2: memref<384x2xf32, #tpu.memory_space<vmem>>, %arg3: memref<384x1xi32, #tpu.memory_space<vmem>>, %arg4: memref<384x1xf32, #tpu.memory_space<vmem>>, %arg5: memref<384x4xf32, #tpu.memory_space<vmem>>, %arg6: memref<384x4xf32, #tpu.memory_space<vmem>>, %arg7: memref<384x1xf32, #tpu.memory_space<vmem>>) attributes {dimension_semantics = [], scalar_prefetch = 0 : i64, scratch_operands = 0 : i64, tpu.core_type = #tpu.core_type<tc>} {
    %get3A = arith.constant 0 : index
    %get3A_0 = arith.constant 0 : index
    %get3A_1 = vector.load %arg3[%get3A, %get3A_0] : memref<384x1xi32, #tpu.memory_space<vmem>>, vector<384x1xi32>
    %shift_left3A = arith.constant 8 : i32
    %shift_left3A_2 = vector.broadcast %shift_left3A : i32 to vector<384x1xi32>
    %shift_left3A_3 = arith.shli %shift_left3A_2, %get3A_1 : vector<384x1xi32>
    %convert_element_type3A = arith.sitofp %shift_left3A_3 : vector<384x1xi32> to vector<384x1xf32>
    %get3A_4 = arith.constant 0 : index
    %get3A_5 = arith.constant 0 : index
    %get3A_6 = vector.load %arg4[%get3A_4, %get3A_5] : memref<384x1xf32, #tpu.memory_space<vmem>>, vector<384x1xf32>
    %ge3A = arith.constant 0.000000e+00 : f32
    %ge3A_7 = vector.broadcast %ge3A : f32 to vector<384x1xf32>
    %ge3A_8 = arith.cmpf oge, %get3A_6, %ge3A_7 : vector<384x1xf32>
    %convert_element_type3A_9 = arith.extui %ge3A_8 : vector<384x1xi1> to vector<384x1xi32>
    %convert_element_type3A_10 = arith.sitofp %convert_element_type3A_9 : vector<384x1xi32> to vector<384x1xf32>
    %iota3A = tpu.iota {dimensions = array<i32: 1>} : vector<384x4xi32>
    %lt3A = arith.constant 2 : i32
    %lt3A_11 = vector.broadcast %lt3A : i32 to vector<384x4xi32>
    %lt3A_12 = arith.cmpi slt, %iota3A, %lt3A_11 : vector<384x4xi32>
    %jit3A = arith.constant -1.000000e+00 : f32
    %jit3A_13 = arith.constant 1.000000e+00 : f32
    %broadcast_in_dim3A = vector.broadcast %jit3A : f32 to vector<384x4xf32>
    %broadcast_in_dim3A_14 = vector.broadcast %jit3A_13 : f32 to vector<384x4xf32>
    %select_n3A = arith.select %lt3A_12, %broadcast_in_dim3A, %broadcast_in_dim3A_14 : vector<384x4xi1>, vector<384x4xf32>
    %get3A_15 = arith.constant 0 : index
    %get3A_16 = arith.constant 0 : index
    %get3A_17 = vector.load %arg2[%get3A_15, %get3A_16] : memref<384x2xf32, #tpu.memory_space<vmem>>, vector<384x2xf32>
    %get3A_18 = arith.constant 0 : index
    %get3A_19 = arith.constant 0 : index
    %get3A_20 = vector.load %arg2[%get3A_18, %get3A_19] : memref<384x2xf32, #tpu.memory_space<vmem>>, vector<384x2xf32>
    %concatenate3A = tpu.concatenate %get3A_17, %get3A_20 in 1 : vector<384x2xf32>, vector<384x2xf32> -> vector<384x4xf32>
    %get3A_21 = arith.constant 0 : index
    %get3A_22 = arith.constant 0 : index
    %get3A_23 = vector.load %arg0[%get3A_21, %get3A_22] : memref<384x4xf32, #tpu.memory_space<vmem>>, vector<384x4xf32>
    %mul3A = arith.mulf %select_n3A, %get3A_23 : vector<384x4xf32>
    %mul3A_24 = vector.broadcast %convert_element_type3A : vector<384x1xf32> to vector<384x4xf32>
    %mul3A_25 = arith.mulf %mul3A, %mul3A_24 : vector<384x4xf32>
    %add3A = arith.addf %concatenate3A, %mul3A_25 : vector<384x4xf32>
    %mul3A_26 = vector.broadcast %convert_element_type3A_10 : vector<384x1xf32> to vector<384x4xf32>
    %mul3A_27 = arith.mulf %add3A, %mul3A_26 : vector<384x4xf32>
    %swap3A = arith.constant 0 : index
    %swap3A_28 = arith.constant 0 : index
    %swap3A_29 = vector.load %arg6[%swap3A, %swap3A_28] : memref<384x4xf32, #tpu.memory_space<vmem>>, vector<384x4xf32>
    tpu.vector_store %arg6[%swap3A, %swap3A_28], %mul3A_27 {strides = array<i32>} : memref<384x4xf32, #tpu.memory_space<vmem>>, vector<384x4xf32>,
    %get3A_30 = arith.constant 0 : index
    %get3A_31 = arith.constant 0 : index
    %get3A_32 = vector.load %arg1[%get3A_30, %get3A_31] : memref<384x4xf32, #tpu.memory_space<vmem>>, vector<384x4xf32>
    %mul3A_33 = arith.mulf %select_n3A, %get3A_32 : vector<384x4xf32>
    %mul3A_34 = vector.broadcast %convert_element_type3A : vector<384x1xf32> to vector<384x4xf32>
    %mul3A_35 = arith.mulf %mul3A_33, %mul3A_34 : vector<384x4xf32>
    %add3A_36 = arith.addf %concatenate3A, %mul3A_35 : vector<384x4xf32>
    %mul3A_37 = vector.broadcast %convert_element_type3A_10 : vector<384x1xf32> to vector<384x4xf32>
    %mul3A_38 = arith.mulf %add3A_36, %mul3A_37 : vector<384x4xf32>
    %swap3A_39 = arith.constant 0 : index
    %swap3A_40 = arith.constant 0 : index
    %swap3A_41 = vector.load %arg5[%swap3A_39, %swap3A_40] : memref<384x4xf32, #tpu.memory_space<vmem>>, vector<384x4xf32>
    tpu.vector_store %arg5[%swap3A_39, %swap3A_40], %mul3A_38 {strides = array<i32>} : memref<384x4xf32, #tpu.memory_space<vmem>>, vector<384x4xf32>,
    %mul3A_42 = arith.mulf %get3A_6, %convert_element_type3A_10 : vector<384x1xf32>
    %swap3A_43 = arith.constant 0 : index
    %swap3A_44 = arith.constant 0 : index
    %swap3A_45 = vector.load %arg7[%swap3A_43, %swap3A_44] : memref<384x1xf32, #tpu.memory_space<vmem>>, vector<384x1xf32>
    tpu.vector_store %arg7[%swap3A_43, %swap3A_44], %mul3A_42 {strides = array<i32>} : memref<384x1xf32, #tpu.memory_space<vmem>>, vector<384x1xf32>,
    return
  }
}

</mosaic_0001>

<sc_bundles>
// kernel: kernel.5.cloned.1.call-start
scs
__scs_entry_jumppad:
0x0: {  	(pc) =	sbr.rel $0x88, $3  }
0x1: {  	(tag) =	ssettag $0x0;
	lr =	simm.s32 $0x1  }
0x2: {  	[smem:$0x3F99] =	sst lr;
	_ =	strace $0xD0000000  }
0x3: {  	_ = 	snop  }
0x4: {  	_ = 	snop  }
0x5: {  	_ = 	snop  }
0x6: {  	_ = 	snop  }
0x7: {  	_ = 	snop  }
__scs_overlays_trampoline_lowered:
0x8: {  	[smem:$0x3FA8] =	sst s0  }
0x9: {  	[smem:$0x3FA9] =	sst s1  }
0xa: {  	[smem:$0x3FAA] =	sst s2  }
0xb: {  	[smem:$0x3FAB] =	sst s3  }
0xc: {  	[smem:$0x3FAC] =	sst s4  }
0xd: {  	[smem:$0x3FAD] =	sst s5  }
0xe: {  	[smem:$0x3FAE] =	sst s6  }
0xf: {  	[smem:$0x3FAF] =	sst s7  }
0x10: {  	[smem:$0x3FB0] =	sst s8  }
0x11: {  	[smem:$0x3FB1] =	sst s9;
	s0 =	simm.s32 @!p0 $0x0  }
0x12: {  	s1 =	sld [smem:$0x3F97];
	s0 =	simm.s32 @p0 $0x1  }
0x13: {  	[smem:$0x3FB2] =	sst s0;
	s0 =	simm.s32 @!p1 $0x0  }
0x14: {  	s2 =	sld [smem:$0x3F96];
	s0 =	simm.s32 @p1 $0x1  }
0x15: {  	[smem:$0x3FB3] =	sst s0;
	s0 =	simm.s32 @!p2 $0x0  }
0x16: {  	s3 =	sld [smem:$0x3FDB];
	s0 =	simm.s32 @p2 $0x1  }
0x17: {  	s4 =	simm.s32 $0x1BF5;
	[smem:$0x3FB5] =	sst s0  }
0x18: {  	s0 =	sld [smem:$0x3F98];
	_ =	swait.ge [sflag:s4], $0x0  }
0x19: {  	s7 =	sld [smem:$0x3F99]  }
0x1a: {  	s8 =	sadd.s32 $0xFFFFE003, lr  }
0x1b: {  	s9 =	sadd.s32 $0xFFFFFEF7, lr;
	s5 =	simm.s32 $0xFFFFFFFF;
	p2 =	slt.u32 s8, $0xFFFFF086  }
0x1c: {  	p1 =	slt.u32 s9, $0xF7A;
	s5 =	simm.s32 @!p2 $0x0  }
0x1d: {  	s5 =	simm.s32 @p1 $0x1;
	p0 =	seq.s32 s7, s2  }
0x1e: {  	s7 =	smul.u32 @!p0 $0xF7A, s2;
	p2 =	seq.s32 @!p0 s5, $0x0  }
0x1f: {  	s9 =	smul.u32 $0xF7A, s1;
	s8 =	simm.s32 @!p0 $0x1BF5;
	p2 =	por !p2, p0  }
0x20: {  	[sflag:s8] =	ssyncset.s32 @!p0 $0xFFFFF086;
	s6 =	sadd.s32 @!p0 s3, s7;
	s7 =	simm.s32 @!p0 $0x108  }
0x21: {  	s3 =	sadd.s32 s3, s9;
	s6 =	sadd.s32 @!p0 $0x88, s6;
	s7 =	simm.s32 @p2 $0x1082  }
0x22: {  	[simem:s7], [sflag:s8] =	dma.local @!p0 [hbm:s6], $0xF7A  }
0x23: {  	s9 =	sor.u32 $0xD0000000, s2;
	s6 =	simm.s32 $0x108;
	_ =	swait.ge @!p0 [sflag:s8], $0x0  }
0x24: {  	s3 =	sadd.s32 $0x88, s3;
	s6 =	simm.s32 @!p1 $0x1082;
	[sflag:s4] =	ssyncset.s32 $0xFFFFF086  }
0x25: {  	[simem:s6], [sflag:s4] =	dma.local [hbm:s3], $0xF7A  }
0x26: {  	[smem:$0x3F99] =	sst s1;
	(tag) =	ssettag s2;
	_ =	strace s9  }
0x27: {  	s1 =	sld [smem:$0x3FA9]  }
0x28: {  	s2 =	sld [smem:$0x3FAA]  }
0x29: {  	s4 =	sld [smem:$0x3FAC]  }
0x2a: {  	p0 =	seq.s32 s5, $0x0;
	s5 =	sld [smem:$0x3FAD]  }
0x2b: {  	s6 =	sld [smem:$0x3FAE]  }
0x2c: {  	s7 =	sld [smem:$0x3FAF]  }
0x2d: {  	s3 =	simm.s32 $0x108;
	s8 =	sld [smem:$0x3FB0]  }
0x2e: {  	s3 =	simm.s32 @!p0 $0x1082;
	s9 =	sld [smem:$0x3FB1]  }
0x2f: {  	lr =	sadd.s32 s0, s3;
	s0 =	sld [smem:$0x3FA8]  }
0x30: {  	s3 =	sld [smem:$0x3FAB]  }
0x31: {  	[smem:$0x3FB4] =	sst s10  }
0x32: {  	s10 =	sld [smem:$0x3FB2];
	_ =	sdelay $0x3  }
0x33: {  	p0 =	seq.s32 s10, $0x1;
	s10 =	sld [smem:$0x3FB4];
	_ =	sdelay $0x3  }
0x34: {  	[smem:$0x3FB4] =	sst s10  }
0x35: {  	s10 =	sld [smem:$0x3FB3];
	_ =	sdelay $0x3  }
0x36: {  	p1 =	seq.s32 s10, $0x1;
	s10 =	sld [smem:$0x3FB4];
	_ =	sdelay $0x3  }
0x37: {  	[smem:$0x3FB4] =	sst s10  }
0x38: {  	s10 =	sld [smem:$0x3FB5]  }
0x39: {  	_ = 	snop;
	(pc) =	sbr.ind lr, $3  }
0x3a: {  	_ = 	snop  }
0x3b: {  	_ = 	snop  }
0x3c: {  	p2 =	seq.s32 s10, $0x1;
	s10 =	sld [smem:$0x3FB4]  }
0x3d: {  	_ =	shalt  }
0x3e: {  	_ =	shalt  }
0x3f: {  	_ =	shalt  }
0x40: {  	_ =	shalt  }
0x41: {  	_ =	shalt  }
0x42: {  	_ =	shalt  }
0x43: {  	_ =	shalt  }
0x44: {  	_ =	shalt  }
0x45: {  	_ =	shalt  }
0x46: {  	_ =	shalt  }
0x47: {  	_ =	shalt  }
0x48: {  	_ =	shalt  }
0x49: {  	_ =	shalt  }
0x4a: {  	_ =	shalt  }
0x4b: {  	_ =	shalt  }
0x4c: {  	_ =	shalt  }
0x4d: {  	_ =	shalt  }
0x4e: {  	_ =	shalt  }
0x4f: {  	_ =	shalt  }
0x50: {  	_ =	shalt  }
0x51: {  	_ =	shalt  }
0x52: {  	_ =	shalt  }
0x53: {  	_ =	shalt  }
0x54: {  	_ =	shalt  }
0x55: {  	_ =	shalt  }
0x56: {  	_ =	shalt  }
0x57: {  	_ =	shalt  }
0x58: {  	_ =	shalt  }
0x59: {  	_ =	shalt  }
0x5a: {  	_ =	shalt  }
0x5b: {  	_ =	shalt  }
0x5c: {  	_ =	shalt  }
0x5d: {  	_ =	shalt  }
0x5e: {  	_ =	shalt  }
0x5f: {  	_ =	shalt  }
0x60: {  	_ =	shalt  }
0x61: {  	_ =	shalt  }
0x62: {  	_ =	shalt  }
0x63: {  	_ =	shalt  }
0x64: {  	_ =	shalt  }
0x65: {  	_ =	shalt  }
0x66: {  	_ =	shalt  }
0x67: {  	_ =	shalt  }
0x68: {  	_ =	shalt  }
0x69: {  	_ =	shalt  }
0x6a: {  	_ =	shalt  }
0x6b: {  	_ =	shalt  }
0x6c: {  	_ =	shalt  }
0x6d: {  	_ =	shalt  }
0x6e: {  	_ =	shalt  }
0x6f: {  	_ =	shalt  }
0x70: {  	_ =	shalt  }
0x71: {  	_ =	shalt  }
0x72: {  	_ =	shalt  }
0x73: {  	_ =	shalt  }
0x74: {  	_ =	shalt  }
0x75: {  	_ =	shalt  }
0x76: {  	_ =	shalt  }
0x77: {  	_ =	shalt  }
0x78: {  	_ =	shalt  }
0x79: {  	_ =	shalt  }
0x7a: {  	_ =	shalt  }
0x7b: {  	_ =	shalt  }
0x7c: {  	_ =	shalt  }
0x7d: {  	_ =	shalt  }
0x7e: {  	_ =	shalt  }
0x7f: {  	_ =	shalt  }
0x80: {  	_ =	shalt  }
0x81: {  	_ =	shalt  }
0x82: {  	_ =	shalt  }
0x83: {  	_ =	shalt  }
0x84: {  	_ =	shalt  }
0x85: {  	_ =	shalt  }
0x86: {  	_ =	shalt  }
0x87: {  	_ =	shalt  }
.Lfunc_end0:
.L_simem_size_0:
called_computation_lowered:
.L_overlay_start_0:
0x88: {  	s2 =	sld [smem:$0x3FD9]  }
0x89: {  	s3 =	sld [smem:$0x3FFE];
	_ =	sdelay $0x1  }
0x8a: {  	s1 =	srdreg.scid  }
0x8b: {  	s0 =	sand.u32 $0x1, s1  }
0x8c: {  	s14 =	sshll.u32 s0, $0xA;
	s2 =	sadd.s32 s3, s2  }
0x8d: {  	s2 =	sadd.s32 s2, s14  }
0x8e: {  	[smem:$0x3FC0] =	sst s2  }
0x8f: {  	_ = 	snop  }
0x90: {  	s2 =	sld [smem:$0x3FD0];
	_ =	sdelay $0x2  }
0x91: {  	s4 =	simm.s32 $0xA;
	s5 =	simm.s32 $0x10;
	s15 =	sld [smem:$0x3FC4]  }
0x92: {  	[smem:s5], [sflag:s4] =	dma.local [hbm:s2], $0x1  }
0x93: {  	_ =	swait.eq [sflag:s4], $0x1  }
0x94: {  	s16 =	sld [smem:$0x10];
	[sflag:s4] =	ssyncset.done $0x0  }
0x95: {  	s17 =	sld [smem:$0x11];
	[sflag:s4] =	ssyncadd.s32 $0xFFFFFFFF  }
0x96: {  	s18 =	sld [smem:$0x12];
	(tm) =	ssettm $0x1  }
0x97: {  	s6 =	sld [smem:$0x3FFB];
	_ =	sdelay $0x3  }
0x98: {  	_ =	strace s6  }
0x99: {  	s6 =	sld [smem:$0x3FFC];
	_ =	sdelay $0x3  }
0x9a: {  	_ =	strace s6  }
0x9b: {  	s6 =	sld [smem:$0x3FFD];
	_ =	sdelay $0x3  }
0x9c: {  	_ =	strace s6  }
0x9d: {  	_ =	strace $0x8FFFFFFF  }
0x9e: {  	s19 =	sld [smem:$0x3FDB];
	_ =	sdelay $0x1  }
0x9f: {  	s7 =	simm.s32 $_scs_section_size  }
0xa0: {  	s8 =	simm.s32 $_size__tile_overlayer_lowered;
	s9 =	simm.s32 $_tile_overlayer_lowered  }
0xa1: {  	s22 =	simm.s32 $0x1BFF;
	s21 =	sshll.u32 s9, $0x1;
	s6 =	sadd.s32 s7, s19  }
0xa2: {  	s10 =	simm.s32 $0x0;
	s20 =	sshll.u32 s8, $0x1;
	s8 =	sadd.s32 s21, s6  }
0xa3: {  	[timem:s10], [sflag:s22] =	dma.local [hbm:s8], s20  }
0xa4: {  	_ =	swait.ge [sflag:s22], s20  }
0xa5: {  	s7 =	ssub.s32 $0x0, s20;
	[sflag:s22] =	ssyncset.done $0x0  }
0xa6: {  	[sflag:s22] =	ssyncadd.s32 s7;
	_ =	sdelay $0x1  }
0xa7: {  	s23 =	simm.s32 $0x1B8B  }
0xa8: {  	_ =	swait.ge [sflag:s23], $0x1  }
0xa9: {  	[sflag:s23] =	ssyncset.done $0x0  }
0xaa: {  	s25 =	simm.s32 $0x1B8E;
	s24 =	sld [smem:$0x3FFE];
	[sflag:s23] =	ssyncadd.s32 $0xFFFFFFFF  }
0xab: {  	s26 =	simm.s32 $execute0_lowered;
	[smem:$0x3FD2] =	sst s25  }
0xac: {  	s8 =	sshll.u32 s26, $0x1;
	_ =	strace $0x80000046;
	[dreg:$0x1] =	wrdreg $0xFFFFFFFF  }
0xad: {  	s28 =	simm.s32 $_size_execute0_lowered;
	s6 =	sadd.s32 s6, s8;
	[dreg:$0x0] =	wrdreg $0x0  }
0xae: {  	s8 =	sshll.u32 s28, $0x1;
	[dreg:$0x2] =	wrdreg s6  }
0xaf: {  	[dreg:$0x3] =	wrdreg s8  }
0xb0: {  	[dreg:$0x4] =	wrdreg $0xC0  }
0xb1: {  	_ =	task [dreg:s10], $0x5FFFF  }
0xb2: {  	[dreg:$0x1] =	wrdreg $0xFFFFFFFF  }
0xb3: {  	[dreg:$0x0] =	wrdreg $0x60  }
0xb4: {  	[dreg:$0x2] =	wrdreg s24  }
0xb5: {  	[dreg:$0x3] =	wrdreg s15  }
0xb6: {  	[dreg:$0x4] =	wrdreg s17  }
0xb7: {  	[dreg:$0x5] =	wrdreg s16  }
0xb8: {  	[dreg:$0x6] =	wrdreg s18  }
0xb9: {  	[dreg:$0x7] =	wrdreg $0x9  }
0xba: {  	_ =	task.clear_ibuf [dreg:s10], $0x8FFFF;
	_ =	strace $0x90000046  }
0xbb: {  	s29 =	simm.s32 $0x9;
	_ =	strace $0x80000048  }
0xbc: {  	_ =	swait.ge [sflag:s29], $0x1  }
0xbd: {  	[sflag:s29] =	ssyncadd.s32 $0xFFFFFFFF  }
0xbe: {  	_ =	strace $0x90000048  }
0xbf: {  	_ =	sfence  }
0xc0: {  	s30 =	sld [smem:$0x0];
	_ =	sdelay $0x2  }
0xc1: {  	s31 =	sshll.u32 s1, $0xD;
	s1 =	sshrl.u32 s1, $0x2  }
0xc2: {  	s3 =	sand.u32 $0x4000, s31;
	s1 =	sadd.s32 s1, s30  }
0xc3: {  	s0 =	sor.u32 s3, s0;
	s1 =	sshll.u32 s1, $0x11  }
0xc4: {  	s0 =	sor.u32 s1, s0  }
0xc5: {  	s0 =	sadd.s32 $0x8F2B, s0  }
0xc6: {  	[sflag:s0] =	ssyncadd.remote.s32 $0x1  }
0xc7: {  	_ =	sfence.sel $0xFFFF  }
0xc8: {  	[dreg:$0x0] =	wrdreg $0xFFFFFFFF;
	(pc) =	sbr.abs _section_cstart, $3  }
0xc9: {  	[dreg:$0x1] =	wrdreg $0xFFFFFFFF  }
0xca: {  	_ =	task.clear_ibuf [dreg:s10], $0x2FFFF;
	_ =	strace $0x9FFFFFFF  }
0xcb: {  	(tm) =	ssettm $0x7FFFFFFF  }
tec
execute0_lowered:
.L_overlay_start_1:
0x0: {  	(tag) =	ssettag $0x1  }
0x1: {  	s15 =	rddreg [dreg:$0x0]  }
0x2: {  	s0 =	rddreg [dreg:$0x1]  }
0x3: {  	s23 =	rddreg [dreg:$0x2];
	s1 =	srdreg.scid  }
0x4: {  	s28 =	rddreg [dreg:$0x3];
	s26 =	stileid.u32  }
0x5: {  	s30 =	rddreg [dreg:$0x4];
	s2 =	simm.s32 $0x0;
	s1 =	sand.u32 $0x1, s1  }
0x6: {  	[dreg:$0x6] =	wrdreg s0;
	s3 =	sshll.u32 s26, $0x2;
	s4 =	sshll.u32 s1, $0x1  }
0x7: {  	[smem:$0x7FF] =	sst s2;
	s29 =	sor.u32 s4, s3  }
0x8: {  	[dreg:$0x7] =	wrdreg s1;
	s31 =	sadd.s32 s29, s15  }
0x9: {  	_ =	strace $0x80000047;
	s3 =	simm.s32 $0x2;
	s4 =	sadd.s32 $0x1400, s31  }
0xa: {  	[tilespmem:s2], [sflag:$0x2] =	stream.linear.gather [hbm4b:s4+s2], $0x10, $0x38;
	[tilespmem:$0xC0] =	vst v63  }
0xb: {  	_ =	swait.ge [sflag:s3], $0x10  }
0xc: {  	[sflag:s3] =	ssyncset.done $0x0  }
0xd: {  	[sflag:s3] =	ssyncadd.s32 $0xFFFFFFF0  }
0xe: {  	v0 =	vld [tilespmem:$0x0];
	_ =	sdelay $0x4  }
0xf: {  	v1 =	vshll.u32 v0, $0x2;
	_ =	sdelay $0x1  }
0x10: {  	v2 =	vor.u32 $0x1, v1;
	_ =	sdelay $0x1  }
0x11: {  	vm0 =	vmmov $0xffff;
	s6 =	simm.s32 $0x10;
	s5 =	sadd.s32 $0x143A00, s15;
	v3 =	vor.u32 $0x2, v1  }
0x12: {  	[tilespmem:s6], [sflag:$0x1] =	stream.indirect_vreg.gather [hbm4b:s5+s2], $0x1, v1, vm0, $0xb8;
	[tilespmem:$0xC0] =	vst v63  }
0x13: {  	s7 =	simm.s32 $0x20;
	v4 =	vor.u32 $0x3, v1  }
0x14: {  	[tilespmem:s7], [sflag:$0x1] =	stream.indirect_vreg.gather [hbm4b:s5+s2], $0x1, v2, vm0, $0xb8;
	[tilespmem:$0xC0] =	vst v63  }
0x15: {  	s8 =	simm.s32 $0x30  }
0x16: {  	[tilespmem:s8], [sflag:$0x1] =	stream.indirect_vreg.gather [hbm4b:s5+s2], $0x1, v3, vm0, $0xb8;
	[tilespmem:$0xC0] =	vst v63  }
0x17: {  	s9 =	simm.s32 $0x40  }
0x18: {  	[tilespmem:s9], [sflag:$0x1] =	stream.indirect_vreg.gather [hbm4b:s5+s2], $0x1, v4, vm0, $0xb8;
	[tilespmem:$0xC0] =	vst v63  }
0x19: {  	s11 =	simm.s32 $0x50;
	s10 =	sadd.s32 $0x139C00, s15  }
0x1a: {  	[tilespmem:s11], [sflag:$0x1] =	stream.indirect_vreg.gather [hbm4b:s10+s2], $0x1, v1, vm0, $0xb8;
	[tilespmem:$0xC0] =	vst v63  }
0x1b: {  	s12 =	simm.s32 $0x60  }
0x1c: {  	[tilespmem:s12], [sflag:$0x1] =	stream.indirect_vreg.gather [hbm4b:s10+s2], $0x1, v2, vm0, $0xb8;
	[tilespmem:$0xC0] =	vst v63  }
0x1d: {  	s13 =	simm.s32 $0x70;
	v62 =	vshll.u32 v0, $0x1  }
0x1e: {  	[tilespmem:s13], [sflag:$0x1] =	stream.indirect_vreg.gather [hbm4b:s10+s2], $0x1, v3, vm0, $0xb8;
	[tilespmem:$0xC0] =	vst v63  }
0x1f: {  	s14 =	simm.s32 $0x80;
	v63 =	vor.u32 $0x1, v62  }
0x20: {  	[tilespmem:s14], [sflag:$0x1] =	stream.indirect_vreg.gather [hbm4b:s10+s2], $0x1, v4, vm0, $0xb8;
	[tilespmem:$0xC0] =	vst v63  }
0x21: {  	s16 =	simm.s32 $0x90;
	s15 =	sadd.s32 $0x14D800, s15  }
0x22: {  	[tilespmem:s16], [sflag:$0x1] =	stream.indirect_vreg.gather [hbm4b:s15+s2], $0x1, v62, vm0, $0xb8;
	[tilespmem:$0xC0] =	vst v63  }
0x23: {  	s17 =	simm.s32 $0xA0  }
0x24: {  	[tilespmem:s17], [sflag:$0x1] =	stream.indirect_vreg.gather [hbm4b:s15+s2], $0x1, v63, vm0, $0xb8;
	[tilespmem:$0xC0] =	vst v63  }
0x25: {  	s18 =	simm.s32 $0xB0;
	s19 =	rddreg [dreg:$0x6]  }
0x26: {  	[tilespmem:s18], [sflag:$0x1] =	stream.indirect_vreg.gather [hbm4b:s19+s2], $0x1, v0, vm0, $0xb8;
	[tilespmem:$0xC0] =	vst v63  }
0x27: {  	s19 =	simm.s32 $0x1  }
0x28: {  	_ =	swait.ge [sflag:s19], $0x10  }
0x29: {  	[sflag:s19] =	ssyncset.done $0x0  }
0x2a: {  	[sflag:s19] =	ssyncadd.s32 $0xFFFFFFF0  }
0x2b: {  	_ =	swait.ge [sflag:s19], $0x10  }
0x2c: {  	[sflag:s19] =	ssyncset.done $0x0  }
0x2d: {  	[sflag:s19] =	ssyncadd.s32 $0xFFFFFFF0  }
0x2e: {  	_ =	swait.ge [sflag:s19], $0x10  }
0x2f: {  	[sflag:s19] =	ssyncset.done $0x0  }
0x30: {  	[sflag:s19] =	ssyncadd.s32 $0xFFFFFFF0  }
0x31: {  	_ =	swait.ge [sflag:s19], $0x10  }
0x32: {  	[sflag:s19] =	ssyncset.done $0x0  }
0x33: {  	[sflag:s19] =	ssyncadd.s32 $0xFFFFFFF0  }
0x34: {  	_ =	swait.ge [sflag:s19], $0x10  }
0x35: {  	[sflag:s19] =	ssyncset.done $0x0  }
0x36: {  	[sflag:s19] =	ssyncadd.s32 $0xFFFFFFF0  }
0x37: {  	_ =	swait.ge [sflag:s19], $0x10  }
0x38: {  	[sflag:s19] =	ssyncset.done $0x0  }
0x39: {  	[sflag:s19] =	ssyncadd.s32 $0xFFFFFFF0  }
0x3a: {  	_ =	swait.ge [sflag:s19], $0x10  }
0x3b: {  	[sflag:s19] =	ssyncset.done $0x0  }
0x3c: {  	[sflag:s19] =	ssyncadd.s32 $0xFFFFFFF0  }
0x3d: {  	_ =	swait.ge [sflag:s19], $0x10  }
0x3e: {  	[sflag:s19] =	ssyncset.done $0x0  }
0x3f: {  	[sflag:s19] =	ssyncadd.s32 $0xFFFFFFF0  }
0x40: {  	_ =	swait.ge [sflag:s19], $0x10  }
0x41: {  	[sflag:s19] =	ssyncset.done $0x0  }
0x42: {  	[sflag:s19] =	ssyncadd.s32 $0xFFFFFFF0  }
0x43: {  	_ =	swait.ge [sflag:s19], $0x10  }
0x44: {  	[sflag:s19] =	ssyncset.done $0x0  }
0x45: {  	[sflag:s19] =	ssyncadd.s32 $0xFFFFFFF0  }
0x46: {  	_ =	swait.ge [sflag:s19], $0x10  }
0x47: {  	[sflag:s19] =	ssyncset.done $0x0  }
0x48: {  	s20 =	sadd.s32 s23, s29;
	[sflag:s19] =	ssyncadd.s32 $0xFFFFFFF0  }
0x49: {  	[hbm4b:s20+s2] =	stream.linear.scatter [tilespmem:s6], [sflag:$0x2], $0x10, $0x38;
	[tilespmem:$0xC0] =	vst v63  }
0x4a: {  	_ =	swait.ge [sflag:s3], $0x10  }
0x4b: {  	s1 =	sor.u32 $0x40, s29;
	[sflag:s3] =	ssyncset.done $0x0  }
0x4c: {  	s21 =	sadd.s32 s23, s1;
	[sflag:s3] =	ssyncadd.s32 $0xFFFFFFF0  }
0x4d: {  	[hbm4b:s21+s2] =	stream.linear.scatter [tilespmem:s7], [sflag:$0x2], $0x10, $0x38;
	[tilespmem:$0xC0] =	vst v63  }
0x4e: {  	_ =	swait.ge [sflag:s3], $0x10  }
0x4f: {  	s26 =	sor.u32 $0x80, s29;
	[sflag:s3] =	ssyncset.done $0x0  }
0x50: {  	s22 =	sadd.s32 s23, s26;
	[sflag:s3] =	ssyncadd.s32 $0xFFFFFFF0  }
0x51: {  	[hbm4b:s22+s2] =	stream.linear.scatter [tilespmem:s8], [sflag:$0x2], $0x10, $0x38;
	[tilespmem:$0xC0] =	vst v63  }
0x52: {  	_ =	swait.ge [sflag:s3], $0x10  }
0x53: {  	s0 =	sor.u32 $0xC0, s29;
	[sflag:s3] =	ssyncset.done $0x0  }
0x54: {  	s23 =	sadd.s32 s23, s0;
	[sflag:s3] =	ssyncadd.s32 $0xFFFFFFF0  }
0x55: {  	[hbm4b:s23+s2] =	stream.linear.scatter [tilespmem:s9], [sflag:$0x2], $0x10, $0x38;
	[tilespmem:$0xC0] =	vst v63  }
0x56: {  	_ =	swait.ge [sflag:s3], $0x10  }
0x57: {  	[sflag:s3] =	ssyncset.done $0x0  }
0x58: {  	s24 =	sadd.s32 s28, s29;
	[sflag:s3] =	ssyncadd.s32 $0xFFFFFFF0  }
0x59: {  	[hbm4b:s24+s2] =	stream.linear.scatter [tilespmem:s11], [sflag:$0x2], $0x10, $0x38;
	[tilespmem:$0xC0] =	vst v63  }
0x5a: {  	_ =	swait.ge [sflag:s3], $0x10  }
0x5b: {  	[sflag:s3] =	ssyncset.done $0x0  }
0x5c: {  	s25 =	sadd.s32 s28, s1;
	[sflag:s3] =	ssyncadd.s32 $0xFFFFFFF0  }
0x5d: {  	[hbm4b:s25+s2] =	stream.linear.scatter [tilespmem:s12], [sflag:$0x2], $0x10, $0x38;
	[tilespmem:$0xC0] =	vst v63  }
0x5e: {  	_ =	swait.ge [sflag:s3], $0x10  }
0x5f: {  	[sflag:s3] =	ssyncset.done $0x0  }
0x60: {  	s26 =	sadd.s32 s28, s26;
	[sflag:s3] =	ssyncadd.s32 $0xFFFFFFF0  }
0x61: {  	[hbm4b:s26+s2] =	stream.linear.scatter [tilespmem:s13], [sflag:$0x2], $0x10, $0x38;
	[tilespmem:$0xC0] =	vst v63  }
0x62: {  	_ =	swait.ge [sflag:s3], $0x10  }
0x63: {  	[sflag:s3] =	ssyncset.done $0x0  }
0x64: {  	s28 =	sadd.s32 s28, s0;
	[sflag:s3] =	ssyncadd.s32 $0xFFFFFFF0  }
0x65: {  	[hbm4b:s28+s2] =	stream.linear.scatter [tilespmem:s14], [sflag:$0x2], $0x10, $0x38;
	[tilespmem:$0xC0] =	vst v63  }
0x66: {  	_ =	swait.ge [sflag:s3], $0x10  }
0x67: {  	[sflag:s3] =	ssyncset.done $0x0  }
0x68: {  	s29 =	sadd.s32 s30, s29;
	[sflag:s3] =	ssyncadd.s32 $0xFFFFFFF0  }
0x69: {  	[hbm4b:s29+s2] =	stream.linear.scatter [tilespmem:s16], [sflag:$0x2], $0x10, $0x38;
	[tilespmem:$0xC0] =	vst v63  }
0x6a: {  	_ =	swait.ge [sflag:s3], $0x10  }
0x6b: {  	s30 =	sadd.s32 s30, s1;
	[sflag:s3] =	ssyncset.done $0x0;
	s1 =	rddreg [dreg:$0x7]  }
0x6c: {  	s0 =	ssub.s32 $0x2, s1;
	[sflag:s3] =	ssyncadd.s32 $0xFFFFFFF0  }
0x6d: {  	[hbm4b:s30+s2] =	stream.linear.scatter [tilespmem:s17], [sflag:$0x2], $0x10, $0x38;
	[tilespmem:$0xC0] =	vst v63  }
0x6e: {  	s1 =	sshrl.u32 s0, $0x1  }
0x6f: {  	s0 =	ssub.s32 s0, s1  }
0x70: {  	s0 =	smax.u32 s0, $0x1  }
0x71: {  	_ =	swait.ge [sflag:s3], $0x10;
	p0 =	sne.s32 s0, $0x1  }
.Ltmp0:
0x72: {  	[sflag:s3] =	ssyncset.done $0x0;
	(pc) =	sbr.rel @!p0 .LBB2_2-.Ltmp0, $4  }
0x73: {  	s31 =	sadd.s32 $0x1600, s31;
	[sflag:s3] =	ssyncadd.s32 $0xFFFFFFF0  }
0x74: {  	[hbm4b:s31+s2] =	stream.linear.scatter [tilespmem:s18], [sflag:$0x2], $0x10, $0x38;
	[tilespmem:$0xC0] =	vst v63  }
0x75: {  	_ =	swait.ge [sflag:s3], $0x10  }
0x76: {  	s1 =	sadd.s32 $0xFFFFFFFF, s0;
	[sflag:s3] =	ssyncset.done $0x0  }
.LBB2_1:
0x77: {  	[sflag:s3] =	ssyncadd.s32 $0xFFFFFFF0  }
0x78: {  	[tilespmem:s2], [sflag:$0x2] =	stream.linear.gather [hbm4b:s4+s2], $0x10, $0x38;
	[tilespmem:$0xC0] =	vst v63  }
0x79: {  	_ =	swait.ge [sflag:s3], $0x10  }
0x7a: {  	[sflag:s3] =	ssyncset.done $0x0  }
0x7b: {  	[sflag:s3] =	ssyncadd.s32 $0xFFFFFFF0  }
0x7c: {  	v0 =	vld [tilespmem:$0x0];
	_ =	sdelay $0x4  }
0x7d: {  	v1 =	vshll.u32 v0, $0x2;
	_ =	sdelay $0x1  }
0x7e: {  	v2 =	vor.u32 $0x1, v1;
	_ =	sdelay $0x1  }
0x7f: {  	v3 =	vor.u32 $0x2, v1  }
0x80: {  	[tilespmem:s6], [sflag:$0x1] =	stream.indirect_vreg.gather [hbm4b:s5+s2], $0x1, v1, vm0, $0xb8;
	[tilespmem:$0xC0] =	vst v63  }
0x81: {  	v4 =	vor.u32 $0x3, v1  }
0x82: {  	[tilespmem:s7], [sflag:$0x1] =	stream.indirect_vreg.gather [hbm4b:s5+s2], $0x1, v2, vm0, $0xb8;
	[tilespmem:$0xC0] =	vst v63  }
0x83: {  	_ = 	snop  }
0x84: {  	[tilespmem:s8], [sflag:$0x1] =	stream.indirect_vreg.gather [hbm4b:s5+s2], $0x1, v3, vm0, $0xb8;
	[tilespmem:$0xC0] =	vst v63  }
0x85: {  	_ = 	snop  }
0x86: {  	[tilespmem:s9], [sflag:$0x1] =	stream.indirect_vreg.gather [hbm4b:s5+s2], $0x1, v4, vm0, $0xb8;
	[tilespmem:$0xC0] =	vst v63  }
0x87: {  	_ = 	snop  }
0x88: {  	[tilespmem:s11], [sflag:$0x1] =	stream.indirect_vreg.gather [hbm4b:s10+s2], $0x1, v1, vm0, $0xb8;
	[tilespmem:$0xC0] =	vst v63  }
0x89: {  	_ = 	snop  }
0x8a: {  	[tilespmem:s12], [sflag:$0x1] =	stream.indirect_vreg.gather [hbm4b:s10+s2], $0x1, v2, vm0, $0xb8;
	[tilespmem:$0xC0] =	vst v63  }
0x8b: {  	v62 =	vshll.u32 v0, $0x1  }
0x8c: {  	[tilespmem:s13], [sflag:$0x1] =	stream.indirect_vreg.gather [hbm4b:s10+s2], $0x1, v3, vm0, $0xb8;
	[tilespmem:$0xC0] =	vst v63  }
0x8d: {  	v63 =	vor.u32 $0x1, v62  }
0x8e: {  	[tilespmem:s14], [sflag:$0x1] =	stream.indirect_vreg.gather [hbm4b:s10+s2], $0x1, v4, vm0, $0xb8;
	[tilespmem:$0xC0] =	vst v63  }
0x8f: {  	_ = 	snop  }
0x90: {  	[tilespmem:s16], [sflag:$0x1] =	stream.indirect_vreg.gather [hbm4b:s15+s2], $0x1, v62, vm0, $0xb8;
	[tilespmem:$0xC0] =	vst v63  }
0x91: {  	_ = 	snop  }
0x92: {  	[tilespmem:s17], [sflag:$0x1] =	stream.indirect_vreg.gather [hbm4b:s15+s2], $0x1, v63, vm0, $0xb8;
	[tilespmem:$0xC0] =	vst v63  }
0x93: {  	s0 =	rddreg [dreg:$0x6]  }
0x94: {  	[tilespmem:s18], [sflag:$0x1] =	stream.indirect_vreg.gather [hbm4b:s0+s2], $0x1, v0, vm0, $0xb8;
	[tilespmem:$0xC0] =	vst v63  }
0x95: {  	_ =	swait.ge [sflag:s19], $0x10  }
0x96: {  	[sflag:s19] =	ssyncset.done $0x0  }
0x97: {  	[sflag:s19] =	ssyncadd.s32 $0xFFFFFFF0  }
0x98: {  	_ =	swait.ge [sflag:s19], $0x10  }
0x99: {  	[sflag:s19] =	ssyncset.done $0x0  }
0x9a: {  	[sflag:s19] =	ssyncadd.s32 $0xFFFFFFF0  }
0x9b: {  	_ =	swait.ge [sflag:s19], $0x10  }
0x9c: {  	[sflag:s19] =	ssyncset.done $0x0  }
0x9d: {  	[sflag:s19] =	ssyncadd.s32 $0xFFFFFFF0  }
0x9e: {  	_ =	swait.ge [sflag:s19], $0x10  }
0x9f: {  	[sflag:s19] =	ssyncset.done $0x0  }
0xa0: {  	[sflag:s19] =	ssyncadd.s32 $0xFFFFFFF0  }
0xa1: {  	_ =	swait.ge [sflag:s19], $0x10  }
0xa2: {  	[sflag:s19] =	ssyncset.done $0x0  }
0xa3: {  	[sflag:s19] =	ssyncadd.s32 $0xFFFFFFF0  }
0xa4: {  	_ =	swait.ge [sflag:s19], $0x10  }
0xa5: {  	[sflag:s19] =	ssyncset.done $0x0  }
0xa6: {  	[sflag:s19] =	ssyncadd.s32 $0xFFFFFFF0  }
0xa7: {  	_ =	swait.ge [sflag:s19], $0x10  }
0xa8: {  	[sflag:s19] =	ssyncset.done $0x0  }
0xa9: {  	[sflag:s19] =	ssyncadd.s32 $0xFFFFFFF0  }
0xaa: {  	_ =	swait.ge [sflag:s19], $0x10  }
0xab: {  	[sflag:s19] =	ssyncset.done $0x0  }
0xac: {  	[sflag:s19] =	ssyncadd.s32 $0xFFFFFFF0  }
0xad: {  	_ =	swait.ge [sflag:s19], $0x10  }
0xae: {  	[sflag:s19] =	ssyncset.done $0x0  }
0xaf: {  	[sflag:s19] =	ssyncadd.s32 $0xFFFFFFF0  }
0xb0: {  	_ =	swait.ge [sflag:s19], $0x10  }
0xb1: {  	[sflag:s19] =	ssyncset.done $0x0  }
0xb2: {  	[sflag:s19] =	ssyncadd.s32 $0xFFFFFFF0  }
0xb3: {  	_ =	swait.ge [sflag:s19], $0x10  }
0xb4: {  	[sflag:s19] =	ssyncset.done $0x0  }
0xb5: {  	[sflag:s19] =	ssyncadd.s32 $0xFFFFFFF0  }
0xb6: {  	[hbm4b:s20+s2] =	stream.linear.scatter [tilespmem:s6], [sflag:$0x2], $0x10, $0x38;
	[tilespmem:$0xC0] =	vst v63  }
0xb7: {  	_ =	swait.ge [sflag:s3], $0x10  }
0xb8: {  	[sflag:s3] =	ssyncset.done $0x0  }
0xb9: {  	[sflag:s3] =	ssyncadd.s32 $0xFFFFFFF0  }
0xba: {  	[hbm4b:s21+s2] =	stream.linear.scatter [tilespmem:s7], [sflag:$0x2], $0x10, $0x38;
	[tilespmem:$0xC0] =	vst v63  }
0xbb: {  	_ =	swait.ge [sflag:s3], $0x10  }
0xbc: {  	[sflag:s3] =	ssyncset.done $0x0  }
0xbd: {  	[sflag:s3] =	ssyncadd.s32 $0xFFFFFFF0  }
0xbe: {  	[hbm4b:s22+s2] =	stream.linear.scatter [tilespmem:s8], [sflag:$0x2], $0x10, $0x38;
	[tilespmem:$0xC0] =	vst v63  }
0xbf: {  	_ =	swait.ge [sflag:s3], $0x10  }
0xc0: {  	[sflag:s3] =	ssyncset.done $0x0  }
0xc1: {  	[sflag:s3] =	ssyncadd.s32 $0xFFFFFFF0  }
0xc2: {  	[hbm4b:s23+s2] =	stream.linear.scatter [tilespmem:s9], [sflag:$0x2], $0x10, $0x38;
	[tilespmem:$0xC0] =	vst v63  }
0xc3: {  	_ =	swait.ge [sflag:s3], $0x10  }
0xc4: {  	[sflag:s3] =	ssyncset.done $0x0  }
0xc5: {  	[sflag:s3] =	ssyncadd.s32 $0xFFFFFFF0  }
0xc6: {  	[hbm4b:s24+s2] =	stream.linear.scatter [tilespmem:s11], [sflag:$0x2], $0x10, $0x38;
	[tilespmem:$0xC0] =	vst v63  }
0xc7: {  	_ =	swait.ge [sflag:s3], $0x10  }
0xc8: {  	[sflag:s3] =	ssyncset.done $0x0  }
0xc9: {  	[sflag:s3] =	ssyncadd.s32 $0xFFFFFFF0  }
0xca: {  	[hbm4b:s25+s2] =	stream.linear.scatter [tilespmem:s12], [sflag:$0x2], $0x10, $0x38;
	[tilespmem:$0xC0] =	vst v63  }
0xcb: {  	_ =	swait.ge [sflag:s3], $0x10  }
0xcc: {  	[sflag:s3] =	ssyncset.done $0x0  }
0xcd: {  	[sflag:s3] =	ssyncadd.s32 $0xFFFFFFF0  }
0xce: {  	[hbm4b:s26+s2] =	stream.linear.scatter [tilespmem:s13], [sflag:$0x2], $0x10, $0x38;
	[tilespmem:$0xC0] =	vst v63  }
0xcf: {  	_ =	swait.ge [sflag:s3], $0x10  }
0xd0: {  	[sflag:s3] =	ssyncset.done $0x0  }
0xd1: {  	[sflag:s3] =	ssyncadd.s32 $0xFFFFFFF0  }
0xd2: {  	[hbm4b:s28+s2] =	stream.linear.scatter [tilespmem:s14], [sflag:$0x2], $0x10, $0x38;
	[tilespmem:$0xC0] =	vst v63  }
0xd3: {  	_ =	swait.ge [sflag:s3], $0x10  }
0xd4: {  	[sflag:s3] =	ssyncset.done $0x0  }
0xd5: {  	[sflag:s3] =	ssyncadd.s32 $0xFFFFFFF0  }
0xd6: {  	[hbm4b:s29+s2] =	stream.linear.scatter [tilespmem:s16], [sflag:$0x2], $0x10, $0x38;
	[tilespmem:$0xC0] =	vst v63  }
0xd7: {  	_ =	swait.ge [sflag:s3], $0x10  }
0xd8: {  	[sflag:s3] =	ssyncset.done $0x0  }
0xd9: {  	[sflag:s3] =	ssyncadd.s32 $0xFFFFFFF0  }
0xda: {  	[hbm4b:s30+s2] =	stream.linear.scatter [tilespmem:s17], [sflag:$0x2], $0x10, $0x38;
	[tilespmem:$0xC0] =	vst v63  }
0xdb: {  	p0 =	sne.s32 s1, $0x1;
	_ =	swait.ge [sflag:s3], $0x10  }
.Ltmp1:
0xdc: {  	[sflag:s3] =	ssyncset.done $0x0;
	(pc) =	sbr.rel @p0 .LBB2_1-.Ltmp1, $4  }
0xdd: {  	[sflag:s3] =	ssyncadd.s32 $0xFFFFFFF0  }
0xde: {  	[hbm4b:s31+s2] =	stream.linear.scatter [tilespmem:s18], [sflag:$0x2], $0x10, $0x38;
	[tilespmem:$0xC0] =	vst v63  }
0xdf: {  	_ =	swait.ge [sflag:s3], $0x10  }
0xe0: {  	s1 =	sadd.s32 $0xFFFFFFFF, s1;
	[sflag:s3] =	ssyncset.done $0x0  }
.LBB2_2:
0xe1: {  	[sflag:s3] =	ssyncadd.s32 $0xFFFFFFF0  }
0xe2: {  	_ =	sfence.sel $0x180000  }
0xe3: {  	[bflag:$0x0] =	sbarrier.arrive $0xFFFF  }
0xe4: {  	_ =	strace $0x90000047  }
0xe5: {  	s0 =	stileid.u32;
	[bflag:$0x2] =	sbarrier.arrive $0xFFFF  }
0xe6: {  	p0 =	sne.s32 s0, $0x0;
	s0 =	rddreg [dreg:$0x5]  }
0xe7: {  	s0 =	sadd.s32 @!p0 $0x100000, s0  }
0xe8: {  	[sflag:s0] =	ssyncadd.tile.s32 @!p0 $0x1;
	_ =	shalt  }
.Lfunc_end2:
_tile_overlayer_lowered:
.L_overlay_start_2:
0xe9: {  	(tag) =	ssettag $0x2  }
0xea: {  	s0 =	rddreg [dreg:$0x0];
	s2 =	stileid.u32  }
0xeb: {  	s1 =	rddreg [dreg:$0x1];
	p0 =	sne.s32 s2, $0x0  }
0xec: {  	s3 =	rddreg [dreg:$0x2];
	[bflag:$0x3] =	sbarrier.arrive $0xFFFF;
	s2 =	simm.s32 @!p0 $0x1C02  }
0xed: {  	[timem:s3], [sflag:s2] =	dma.local @!p0 [hbm:s0], s1  }
0xee: {  	s0 =	simm.s32 @!p0 $0x2  }
0xef: {  	_ =	swait.ge @!p0 [sflag:s0], s1  }
0xf0: {  	s1 =	ssub.s32 @!p0 $0x0, s1;
	[sflag:s0] =	ssyncset.done @!p0 $0x0  }
0xf1: {  	[sflag:s0] =	ssyncadd.s32 @!p0 s1  }
0xf2: {  	[bflag:$0x3] =	sbarrier.arrive $0xFFFF  }
0xf3: {  	_ =	shalt  }

</sc_bundles>
